<compile_context>
chip_gen: v7x
topology: tpu7x:2x2x1
jax: 0.10.2.dev20260603
libtpu: 0.0.44.dev20260713+nightly
codegen_flags: <defaults>
</compile_context>

<pallas_src>
import functools

import jax
import jax.numpy as jnp
from jax import lax
from jax.experimental import pallas as pl
from jax.experimental.pallas import tpu as pltpu
from jax.experimental.pallas import tpu_sc as plsc

NNODE = 10000
NGRAPH = 16
NDIM = 128
NTOT = NNODE + NGRAPH
RP = 10240
ZR = RP // 16

NWORK = 32
CHUNK = 128
NBUF = 2
BR = 1024


def _make_sc_agg(ch_per_w):
    mesh = plsc.VectorSubcoreMesh(core_axis_name="c", subcore_axis_name="s")

    @functools.partial(
        pl.kernel,
        out_type=jax.ShapeDtypeStruct((2, RP, NDIM), jnp.float32),
        mesh=mesh,
        scratch_types=(
            [pltpu.VMEM((2, CHUNK), jnp.int32) for _ in range(NBUF)] +
            [pltpu.VMEM((CHUNK, NDIM), jnp.float32) for _ in range(NBUF)] +
            [pltpu.VMEM_SHARED((RP, NDIM), jnp.float32)] +
            [pltpu.SemaphoreType.DMA for _ in range(2 * NBUF)]
        ),
    )
    def sc_agg(h_hbm, sd_hbm, zeros_hbm, out_hbm, *bufs):
        idx = bufs[:NBUF]
        rows = bufs[NBUF:2 * NBUF]
        agg_sh = bufs[2 * NBUF]
        gsem = bufs[2 * NBUF + 1:3 * NBUF + 1]
        isem = bufs[3 * NBUF + 1:]
        cid = lax.axis_index("c")
        sid = lax.axis_index("s")
        w = cid * 16 + sid
        pltpu.sync_copy(zeros_hbm, agg_sh.at[pl.ds(sid * ZR, ZR)])
        plsc.subcore_barrier()

        for b in range(NBUF):
            pltpu.async_copy(sd_hbm.at[w, b], idx[b], isem[b])
        for b in range(NBUF - 1):
            pltpu.make_async_copy(sd_hbm.at[w, b], idx[b], isem[b]).wait()
            pltpu.async_copy(h_hbm.at[idx[b].at[0]], rows[b], gsem[b])

        def body(p, carry):
            for b in range(NBUF):
                g = NBUF * p + b
                nb = (b + NBUF - 1) % NBUF
                pltpu.make_async_copy(h_hbm.at[idx[b].at[0]], rows[b],
                                      gsem[b]).wait()

                @pl.when(g + NBUF - 1 < ch_per_w)
                def _():
                    pltpu.make_async_copy(sd_hbm.at[w, g + NBUF - 1], idx[nb],
                                          isem[nb]).wait()
                    pltpu.async_copy(h_hbm.at[idx[nb].at[0]], rows[nb],
                                     gsem[nb])

                pltpu.sync_copy(rows[b], agg_sh.at[idx[b].at[1]], add=True)

                @pl.when(g + NBUF < ch_per_w)
                def _():
                    pltpu.async_copy(sd_hbm.at[w, g + NBUF], idx[b], isem[b])
            return carry

        lax.fori_loop(0, ch_per_w // NBUF, body, 0)
        plsc.subcore_barrier()
        pltpu.sync_copy(agg_sh.at[pl.ds(sid * ZR, ZR)],
                        out_hbm.at[cid, pl.ds(sid * ZR, ZR)])

    return sc_agg


def _mlp_body(h_ref, a_ref, m_ref, p_ref, vc_ref, w1_ref, b1_ref,
              w2_ref, b2_ref, o_ref, vo_ref, *, last):
    i = pl.program_id(0)
    z = h_ref[...] + a_ref[0] + a_ref[1]
    z = z + jnp.dot(m_ref[...], vc_ref[...], preferred_element_type=jnp.float32)
    t = jnp.dot(z, w1_ref[...], preferred_element_type=jnp.float32) + b1_ref[...]
    t = jnp.maximum(t, 0.0)
    y = jnp.dot(t, w2_ref[...], preferred_element_type=jnp.float32) + b2_ref[...]
    if not last:
        y = jnp.maximum(y, 0.0)
    o_ref[...] = y
    part = lax.dot_general(p_ref[...], y, (((0,), (0,)), ((), ())),
                           preferred_element_type=jnp.float32)

    @pl.when(i == 0)
    def _():
        vo_ref[...] = jnp.zeros_like(vo_ref)

    vo_ref[...] += part


def _mlp(h, agg, m, p, vcat, w1t, b1, w2t, b2, last):
    grid = (RP // BR,)
    return pl.pallas_call(
        functools.partial(_mlp_body, last=last),
        grid=grid,
        in_specs=[
            pl.BlockSpec((BR, NDIM), lambda i: (i, 0)),
            pl.BlockSpec((2, BR, NDIM), lambda i: (0, i, 0)),
            pl.BlockSpec((BR, 2 * NGRAPH), lambda i: (i, 0)),
            pl.BlockSpec((BR, 2 * NGRAPH), lambda i: (i, 0)),
            pl.BlockSpec((2 * NGRAPH, NDIM), lambda i: (0, 0)),
            pl.BlockSpec((NDIM, NDIM), lambda i: (0, 0)),
            pl.BlockSpec((1, NDIM), lambda i: (0, 0)),
            pl.BlockSpec((NDIM, NDIM), lambda i: (0, 0)),
            pl.BlockSpec((1, NDIM), lambda i: (0, 0)),
        ],
        out_specs=[
            pl.BlockSpec((BR, NDIM), lambda i: (i, 0)),
            pl.BlockSpec((2 * NGRAPH, NDIM), lambda i: (0, 0)),
        ],
        out_shape=[
            jax.ShapeDtypeStruct((RP, NDIM), jnp.float32),
            jax.ShapeDtypeStruct((2 * NGRAPH, NDIM), jnp.float32),
        ],
    )(h, agg, m, p, vcat, w1t, b1, w2t, b2)


def _vcat0_body(h_ref, p_ref, vo_ref):
    i = pl.program_id(0)

    @pl.when(i == 0)
    def _():
        vo_ref[...] = jnp.zeros_like(vo_ref)

    vo_ref[...] += lax.dot_general(p_ref[...], h_ref[...],
                                   (((0,), (0,)), ((), ())),
                                   preferred_element_type=jnp.float32)


def _vcat0(h, p):
    return pl.pallas_call(
        _vcat0_body,
        grid=(RP // BR,),
        in_specs=[
            pl.BlockSpec((BR, NDIM), lambda i: (i, 0)),
            pl.BlockSpec((BR, 2 * NGRAPH), lambda i: (i, 0)),
        ],
        out_specs=pl.BlockSpec((2 * NGRAPH, NDIM), lambda i: (0, 0)),
        out_shape=jax.ShapeDtypeStruct((2 * NGRAPH, NDIM), jnp.float32),
    )(h, p)


def _final_body(hv_ref, wl_ref, bl_ref, o_ref):
    z = jnp.maximum(hv_ref[...], 0.0)
    o_ref[...] = (jnp.dot(z, wl_ref[...], preferred_element_type=jnp.float32)
                  + bl_ref[...])


def _final(hv, wlt, bl):
    return pl.pallas_call(
        _final_body,
        out_shape=jax.ShapeDtypeStruct((NGRAPH, NDIM), jnp.float32),
    )(hv, wlt, bl)


def kernel(x, edge_index, batch, W1, b1, W2, b2, Wl, bl):
    n, d = x.shape
    e = edge_index.shape[1]
    idt = jnp.int32
    src = edge_index[0].astype(idt)
    dst = edge_index[1].astype(idt)
    ch_per_w = -(-e // (NWORK * CHUNK))
    ch_per_w = -(-ch_per_w // NBUF) * NBUF
    pad = NWORK * CHUNK * ch_per_w - e
    pk = jnp.arange(pad, dtype=idt)
    src = jnp.concatenate([src, (pk * 131) % jnp.int32(n)])
    dst = jnp.concatenate([dst, NTOT + pk % jnp.int32(RP - NTOT)])
    sd = jnp.stack([src.reshape(NWORK, ch_per_w, CHUNK),
                    dst.reshape(NWORK, ch_per_w, CHUNK)], axis=2)

    h = jnp.zeros((RP, NDIM), jnp.float32).at[:n].set(x)
    zeros = jnp.zeros((ZR, NDIM), jnp.float32)
    gids = jnp.arange(NGRAPH, dtype=idt)
    bpad = jnp.concatenate([batch.astype(idt), jnp.full((RP - n,), -1, idt)])
    m_real = (bpad[:, None] == gids[None, :]).astype(jnp.float32)
    rows_i = jnp.arange(RP, dtype=idt)
    m_virt = ((rows_i[:, None] - n) == gids[None, :]).astype(jnp.float32)
    m = jnp.concatenate([m_real, m_virt], axis=1)
    p = jnp.concatenate([m_virt, m_real], axis=1)

    w1t = jnp.swapaxes(W1, 1, 2)
    w2t = jnp.swapaxes(W2, 1, 2)
    nl = W1.shape[0]
    b1r = b1.reshape(nl, 1, NDIM)
    b2r = b2.reshape(nl, 1, NDIM)

    sc_agg = _make_sc_agg(ch_per_w)
    vcat = _vcat0(h, p)
    for l in range(nl):
        agg = sc_agg(h, sd, zeros)
        h, vcat = _mlp(h, agg, m, p, vcat, w1t[l], b1r[l], w2t[l], b2r[l],
                       last=(l == nl - 1))

    hv = lax.slice(vcat, (0, 0), (NGRAPH, NDIM))
    return _final(hv, Wl.T, bl.reshape(1, NDIM))

# --- scband reference (transcript-rebuilt; emitter-appended) ---
"""Pipeline reference for scband-virtual-encoder-37383395345197 (READ-ONLY COPY).

The authoritative reference and input builder live on the scoring server;
editing this copy changes nothing except your own understanding.
"""

import jax, jax.numpy as jnp
import numpy as np

N = 10000
E = 320000
D = 128
H = 128
G = 16
NUM_LAYERS = 3  # depth + 1


def setup_inputs(seed: int = 0) -> dict:
    key = jax.random.key(seed)
    ks = jax.random.split(key, 10)
    x = jax.random.normal(ks[0], (N, D), dtype=jnp.float32)
    edge_index = jax.random.randint(ks[1], (2, E), 0, N, dtype=jnp.int64)
    batch = jnp.sort(jax.random.randint(ks[2], (N,), 0, G, dtype=jnp.int64))
    # GIN conv MLP params: each conv has Linear(in,H) -> ReLU -> Linear(H,H).
    # in == H == D == 128 so we stack per-layer weights.
    W1 = jax.random.normal(ks[3], (NUM_LAYERS, H, D), dtype=jnp.float32) * 0.05
    b1 = jnp.zeros((NUM_LAYERS, H), dtype=jnp.float32)
    W2 = jax.random.normal(ks[4], (NUM_LAYERS, H, H), dtype=jnp.float32) * 0.05
    b2 = jnp.zeros((NUM_LAYERS, H), dtype=jnp.float32)
    # final Linear(embedding_channels, embedding_channels)
    Wl = jax.random.normal(ks[5], (H, H), dtype=jnp.float32) * 0.05
    bl = jnp.zeros((H,), dtype=jnp.float32)
    return {"x": x, "edge_index": edge_index, "batch": batch,
            "W1": W1, "b1": b1, "W2": W2, "b2": b2, "Wl": Wl, "bl": bl}


def reference(x, edge_index, batch, W1, b1, W2, b2, Wl, bl):
    n, d = x.shape
    # --- add one virtual node per graph (zero features), bidirectional edges ---
    xv = jnp.concatenate([x, jnp.zeros((G, d), dtype=x.dtype)], axis=0)
    vdst = n + batch                      # node i -> virtual node of its graph
    vsrc = jnp.arange(n, dtype=batch.dtype)
    src = jnp.concatenate([edge_index[0], vsrc, vdst])
    dst = jnp.concatenate([edge_index[1], vdst, vsrc])
    # --- GIN: num_layers = depth+1 convs, eps=0, relu between convs ---
    h = xv
    for l in range(NUM_LAYERS):
        agg = jax.ops.segment_sum(h[src], dst, num_segments=n + G)
        z = h + agg  # (1 + eps) * x + sum_j x_j, eps = 0
        z = jnp.maximum(z @ W1[l].T + b1[l], 0.0) @ W2[l].T + b2[l]
        if l < NUM_LAYERS - 1:
            z = jnp.maximum(z, 0.0)
        h = z
    # --- keep only virtual-node rows (mask) ---
    mask = (jnp.arange(n + G) >= n).astype(h.dtype)[:, None]
    h = h * mask
    # --- sum aggregation per graph ---
    batch_full = jnp.concatenate([batch, jnp.arange(G, dtype=batch.dtype)])
    global_x = jax.ops.segment_sum(h, batch_full, num_segments=G)
    # --- final linear on relu(global_x) ---
    return jnp.maximum(global_x, 0.0) @ Wl.T + bl

if __name__ == "__main__":
    import jax
    _d = setup_inputs()
    print(jax.jit(kernel)(*tuple(_d.values())))

</pallas_src>

<mosaic_0001>
#map = affine_map<(d0, d1) -> (0, 0)>
#map1 = affine_map<(d0, d1) -> (0, 0, 0, 0)>
#map2 = affine_map<(d0, d1) -> (0, 0, 0)>
module attributes {stable_mosaic.version = 14 : i64} {
  func.func @sc_agg(%arg0: i32, %arg1: i32, %arg2: memref<10240x128xf32, #tpu.memory_space<hbm>>, %arg3: memref<32x80x2x128xi32, #tpu.memory_space<hbm>>, %arg4: memref<640x128xf32, #tpu.memory_space<hbm>>, %arg5: memref<2x10240x128xf32, #tpu.memory_space<hbm>>, %arg6: memref<2x128xi32, #tpu.memory_space<vmem>>, %arg7: memref<2x128xi32, #tpu.memory_space<vmem>>, %arg8: memref<128x128xf32, #tpu.memory_space<vmem>>, %arg9: memref<128x128xf32, #tpu.memory_space<vmem>>, %arg10: memref<10240x128xf32, #tpu.memory_space<vmem_shared>>, %arg11: memref<!tpu.dma_semaphore, #tpu.memory_space<semaphore_mem>>, %arg12: memref<!tpu.dma_semaphore, #tpu.memory_space<semaphore_mem>>, %arg13: memref<!tpu.dma_semaphore, #tpu.memory_space<semaphore_mem>>, %arg14: memref<!tpu.dma_semaphore, #tpu.memory_space<semaphore_mem>>) attributes {dimension_semantics = [#tpu.dimension_semantics<core_parallel>, #tpu.dimension_semantics<subcore_parallel>], iteration_bounds = array<i64: 2, 16>, scalar_prefetch = 0 : i64, scratch_operands = 9 : i64, tpu.core_type = #tpu.core_type<sc_vector_subcore>, window_params = [{transform_indices = #map}, {transform_indices = #map1}, {transform_indices = #map}, {transform_indices = #map2}]} {
    %mul3A = arith.constant 16 : i32
    %mul3A_0 = arith.muli %arg0, %mul3A : i32
    %add3A = arith.addi %mul3A_0, %arg1 : i32
    %mul3A_1 = arith.constant 640 : i32
    %mul3A_2 = arith.muli %arg1, %mul3A_1 : i32
    "tpu.region"() ({
      %run_scoped3A = tpu.sem_alloc : memref<!tpu.dma_semaphore, #tpu.memory_space<semaphore_mem>>
      %dma_start3A_45 = arith.constant 0 : i32
      %dma_start3A_46 = tpu.memref_slice %arg10[%mul3A_2, %dma_start3A_45] : memref<10240x128xf32, #tpu.memory_space<vmem_shared>> -> memref<640x128xf32, #tpu.memory_space<vmem_shared>>
      tpu.enqueue_dma source(%arg4 : memref<640x128xf32, #tpu.memory_space<hbm>>) target(%dma_start3A_46 : memref<640x128xf32, #tpu.memory_space<vmem_shared>>) target_semaphore(%run_scoped3A : memref<!tpu.dma_semaphore, #tpu.memory_space<semaphore_mem>>)
      %dma_wait3A_47 = arith.constant 0 : i32
      %dma_wait3A_48 = tpu.memref_slice %arg10[%mul3A_2, %dma_wait3A_47] : memref<10240x128xf32, #tpu.memory_space<vmem_shared>> -> memref<640x128xf32, #tpu.memory_space<vmem_shared>>
      tpu.wait_dma2 semaphore(%run_scoped3A : memref<!tpu.dma_semaphore, #tpu.memory_space<semaphore_mem>>) src(%arg4 : memref<640x128xf32, #tpu.memory_space<hbm>>) dst(%dma_wait3A_48 : memref<640x128xf32, #tpu.memory_space<vmem_shared>>)
      tpu.yield
    }) : () -> ()
    %barrier3A = arith.constant 0 : index
    tpu.barrier barrier_id(%barrier3A)
    %dma_start3A = arith.constant 0 : i32
    %dma_start3A_3 = arith.constant 0 : i32
    %dma_start3A_4 = arith.constant 0 : i32
    %dma_start3A_5 = tpu.memref_slice %arg3[%add3A, %dma_start3A, %dma_start3A_3, %dma_start3A_4] : memref<32x80x2x128xi32, #tpu.memory_space<hbm>> -> memref<1x1x2x128xi32, #tpu.memory_space<hbm>>
    %dma_start3A_6 = tpu.memref_squeeze %dma_start3A_5 : memref<1x1x2x128xi32, #tpu.memory_space<hbm>> -> memref<2x128xi32, #tpu.memory_space<hbm>>
    %dma_start3A_7 = arith.constant 0 : i32
    %dma_start3A_8 = arith.constant 0 : i32
    %dma_start3A_9 = tpu.memref_slice %arg3[%add3A, %dma_start3A, %dma_start3A_7, %dma_start3A_8] : memref<32x80x2x128xi32, #tpu.memory_space<hbm>> -> memref<1x1x2x128xi32, #tpu.memory_space<hbm>>
    %dma_start3A_10 = tpu.memref_squeeze %dma_start3A_9 : memref<1x1x2x128xi32, #tpu.memory_space<hbm>> -> memref<2x128xi32, #tpu.memory_space<hbm>>
    tpu.enqueue_dma source(%dma_start3A_10 : memref<2x128xi32, #tpu.memory_space<hbm>>) target(%arg6 : memref<2x128xi32, #tpu.memory_space<vmem>>) target_semaphore(%arg13 : memref<!tpu.dma_semaphore, #tpu.memory_space<semaphore_mem>>)
    %dma_start3A_11 = arith.constant 1 : i32
    %dma_start3A_12 = arith.constant 0 : i32
    %dma_start3A_13 = arith.constant 0 : i32
    %dma_start3A_14 = tpu.memref_slice %arg3[%add3A, %dma_start3A_11, %dma_start3A_12, %dma_start3A_13] : memref<32x80x2x128xi32, #tpu.memory_space<hbm>> -> memref<1x1x2x128xi32, #tpu.memory_space<hbm>>
    %dma_start3A_15 = tpu.memref_squeeze %dma_start3A_14 : memref<1x1x2x128xi32, #tpu.memory_space<hbm>> -> memref<2x128xi32, #tpu.memory_space<hbm>>
    %dma_start3A_16 = arith.constant 0 : i32
    %dma_start3A_17 = arith.constant 0 : i32
    %dma_start3A_18 = tpu.memref_slice %arg3[%add3A, %dma_start3A_11, %dma_start3A_16, %dma_start3A_17] : memref<32x80x2x128xi32, #tpu.memory_space<hbm>> -> memref<1x1x2x128xi32, #tpu.memory_space<hbm>>
    %dma_start3A_19 = tpu.memref_squeeze %dma_start3A_18 : memref<1x1x2x128xi32, #tpu.memory_space<hbm>> -> memref<2x128xi32, #tpu.memory_space<hbm>>
    tpu.enqueue_dma source(%dma_start3A_19 : memref<2x128xi32, #tpu.memory_space<hbm>>) target(%arg7 : memref<2x128xi32, #tpu.memory_space<vmem>>) target_semaphore(%arg14 : memref<!tpu.dma_semaphore, #tpu.memory_space<semaphore_mem>>)
    %dma_wait3A = arith.constant 0 : i32
    %dma_wait3A_20 = arith.constant 0 : i32
    %dma_wait3A_21 = arith.constant 0 : i32
    %dma_wait3A_22 = tpu.memref_slice %arg3[%add3A, %dma_wait3A, %dma_wait3A_20, %dma_wait3A_21] : memref<32x80x2x128xi32, #tpu.memory_space<hbm>> -> memref<1x1x2x128xi32, #tpu.memory_space<hbm>>
    %dma_wait3A_23 = tpu.memref_squeeze %dma_wait3A_22 : memref<1x1x2x128xi32, #tpu.memory_space<hbm>> -> memref<2x128xi32, #tpu.memory_space<hbm>>
    %dma_wait3A_24 = arith.constant 0 : i32
    %dma_wait3A_25 = arith.constant 0 : i32
    %dma_wait3A_26 = tpu.memref_slice %arg3[%add3A, %dma_wait3A, %dma_wait3A_24, %dma_wait3A_25] : memref<32x80x2x128xi32, #tpu.memory_space<hbm>> -> memref<1x1x2x128xi32, #tpu.memory_space<hbm>>
    %dma_wait3A_27 = tpu.memref_squeeze %dma_wait3A_26 : memref<1x1x2x128xi32, #tpu.memory_space<hbm>> -> memref<2x128xi32, #tpu.memory_space<hbm>>
    tpu.wait_dma2 semaphore(%arg13 : memref<!tpu.dma_semaphore, #tpu.memory_space<semaphore_mem>>) src(%dma_wait3A_27 : memref<2x128xi32, #tpu.memory_space<hbm>>) dst(%arg6 : memref<2x128xi32, #tpu.memory_space<vmem>>)
    %dma_start3A_28 = arith.constant 0 : i32
    %dma_start3A_29 = arith.constant 0 : i32
    %dma_start3A_30 = tpu.memref_slice %arg6[%dma_start3A_28, %dma_start3A_29] : memref<2x128xi32, #tpu.memory_space<vmem>> -> memref<1x128xi32, #tpu.memory_space<vmem>>
    %dma_start3A_31 = tpu.memref_squeeze %dma_start3A_30 : memref<1x128xi32, #tpu.memory_space<vmem>> -> memref<128xi32, #tpu.memory_space<vmem>>
    %dma_start3A_32 = arith.constant 0 : i32
    %dma_start3A_33 = arith.constant 0 : i32
    %dma_start3A_34 = tpu.memref_slice %arg2[%dma_start3A_32, %dma_start3A_33] : memref<10240x128xf32, #tpu.memory_space<hbm>> -> memref<10240x128xf32, #tpu.memory_space<hbm>>
    tpu.enqueue_indirect_dma source(%dma_start3A_34 : memref<10240x128xf32, #tpu.memory_space<hbm>>) target(%arg8 : memref<128x128xf32, #tpu.memory_space<vmem>>) offsets(%dma_start3A_31 : memref<128xi32, #tpu.memory_space<vmem>>) semaphore(%arg11 : memref<!tpu.dma_semaphore, #tpu.memory_space<semaphore_mem>>)
    %scan3A = arith.constant 0 : i32
    %scan3A_35 = arith.constant 0 : i32
    %scan3A_36 = arith.constant 40 : i32
    %scan3A_37 = arith.addi %scan3A_35, %scan3A_36 : i32
    %scan3A_38 = arith.constant 1 : i32
    scf.for %scan3A_45 = %scan3A_35 to %scan3A_37 step %scan3A_38  : i32 {
      %mul3A_46 = arith.constant 2 : i32
      %mul3A_47 = arith.muli %mul3A_46, %scan3A_45 : i32
      %add3A_48 = arith.constant 0 : i32
      %add3A_49 = arith.addi %mul3A_47, %add3A_48 : i32
      %dma_wait3A_50 = arith.constant 0 : i32
      %dma_wait3A_51 = arith.constant 0 : i32
      %dma_wait3A_52 = tpu.memref_slice %arg6[%dma_wait3A_50, %dma_wait3A_51] : memref<2x128xi32, #tpu.memory_space<vmem>> -> memref<1x128xi32, #tpu.memory_space<vmem>>
      %dma_wait3A_53 = tpu.memref_squeeze %dma_wait3A_52 : memref<1x128xi32, #tpu.memory_space<vmem>> -> memref<128xi32, #tpu.memory_space<vmem>>
      %dma_wait3A_54 = arith.constant 0 : i32
      %dma_wait3A_55 = arith.constant 0 : i32
      %dma_wait3A_56 = tpu.memref_slice %arg2[%dma_wait3A_54, %dma_wait3A_55] : memref<10240x128xf32, #tpu.memory_space<hbm>> -> memref<10240x128xf32, #tpu.memory_space<hbm>>
      tpu.wait_indirect_dma semaphore(%arg11 : memref<!tpu.dma_semaphore, #tpu.memory_space<semaphore_mem>>) src(%dma_wait3A_56 : memref<10240x128xf32, #tpu.memory_space<hbm>>) dst(%arg8 : memref<128x128xf32, #tpu.memory_space<vmem>>)
      %add3A_57 = arith.constant 2 : i32
      %add3A_58 = arith.addi %add3A_49, %add3A_57 : i32
      %sub3A = arith.constant 1 : i32
      %sub3A_59 = arith.subi %add3A_58, %sub3A : i32
      %lt3A = arith.constant 80 : i32
      %lt3A_60 = arith.cmpi slt, %sub3A_59, %lt3A : i32
      %convert_element_type3A = arith.extui %lt3A_60 : i1 to i32
      %cond3A = arith.constant 0 : i32
      %cond3A_61 = arith.cmpi ne, %convert_element_type3A, %cond3A : i32
      scf.if %cond3A_61 {
        %add3A_97 = arith.constant 2 : i32
        %add3A_98 = arith.addi %add3A_49, %add3A_97 : i32
        %sub3A_99 = arith.constant 1 : i32
        %sub3A_100 = arith.subi %add3A_98, %sub3A_99 : i32
        %dma_wait3A_101 = arith.constant 0 : i32
        %dma_wait3A_102 = arith.constant 0 : i32
        %dma_wait3A_103 = tpu.memref_slice %arg3[%add3A, %sub3A_100, %dma_wait3A_101, %dma_wait3A_102] : memref<32x80x2x128xi32, #tpu.memory_space<hbm>> -> memref<1x1x2x128xi32, #tpu.memory_space<hbm>>
        %dma_wait3A_104 = tpu.memref_squeeze %dma_wait3A_103 : memref<1x1x2x128xi32, #tpu.memory_space<hbm>> -> memref<2x128xi32, #tpu.memory_space<hbm>>
        %dma_wait3A_105 = arith.constant 0 : i32
        %dma_wait3A_106 = arith.constant 0 : i32
        %dma_wait3A_107 = tpu.memref_slice %arg3[%add3A, %sub3A_100, %dma_wait3A_105, %dma_wait3A_106] : memref<32x80x2x128xi32, #tpu.memory_space<hbm>> -> memref<1x1x2x128xi32, #tpu.memory_space<hbm>>
        %dma_wait3A_108 = tpu.memref_squeeze %dma_wait3A_107 : memref<1x1x2x128xi32, #tpu.memory_space<hbm>> -> memref<2x128xi32, #tpu.memory_space<hbm>>
        tpu.wait_dma2 semaphore(%arg14 : memref<!tpu.dma_semaphore, #tpu.memory_space<semaphore_mem>>) src(%dma_wait3A_108 : memref<2x128xi32, #tpu.memory_space<hbm>>) dst(%arg7 : memref<2x128xi32, #tpu.memory_space<vmem>>)
        %dma_start3A_109 = arith.constant 0 : i32
        %dma_start3A_110 = arith.constant 0 : i32
        %dma_start3A_111 = tpu.memref_slice %arg7[%dma_start3A_109, %dma_start3A_110] : memref<2x128xi32, #tpu.memory_space<vmem>> -> memref<1x128xi32, #tpu.memory_space<vmem>>
        %dma_start3A_112 = tpu.memref_squeeze %dma_start3A_111 : memref<1x128xi32, #tpu.memory_space<vmem>> -> memref<128xi32, #tpu.memory_space<vmem>>
        %dma_start3A_113 = arith.constant 0 : i32
        %dma_start3A_114 = arith.constant 0 : i32
        %dma_start3A_115 = tpu.memref_slice %arg2[%dma_start3A_113, %dma_start3A_114] : memref<10240x128xf32, #tpu.memory_space<hbm>> -> memref<10240x128xf32, #tpu.memory_space<hbm>>
        tpu.enqueue_indirect_dma source(%dma_start3A_115 : memref<10240x128xf32, #tpu.memory_space<hbm>>) target(%arg9 : memref<128x128xf32, #tpu.memory_space<vmem>>) offsets(%dma_start3A_112 : memref<128xi32, #tpu.memory_space<vmem>>) semaphore(%arg12 : memref<!tpu.dma_semaphore, #tpu.memory_space<semaphore_mem>>)
      } else {
      }
      %run_scoped3A = arith.constant 1 : i32
      "tpu.region"() ({
        %run_scoped3A_97 = tpu.sem_alloc : memref<!tpu.dma_semaphore, #tpu.memory_space<semaphore_mem>>
        %dma_start3A_98 = arith.constant 0 : i32
        %dma_start3A_99 = tpu.memref_slice %arg6[%run_scoped3A, %dma_start3A_98] : memref<2x128xi32, #tpu.memory_space<vmem>> -> memref<1x128xi32, #tpu.memory_space<vmem>>
        %dma_start3A_100 = tpu.memref_squeeze %dma_start3A_99 : memref<1x128xi32, #tpu.memory_space<vmem>> -> memref<128xi32, #tpu.memory_space<vmem>>
        %dma_start3A_101 = arith.constant 0 : i32
        %dma_start3A_102 = arith.constant 0 : i32
        %dma_start3A_103 = tpu.memref_slice %arg10[%dma_start3A_101, %dma_start3A_102] : memref<10240x128xf32, #tpu.memory_space<vmem_shared>> -> memref<10240x128xf32, #tpu.memory_space<vmem_shared>>
        tpu.enqueue_indirect_dma source(%arg8 : memref<128x128xf32, #tpu.memory_space<vmem>>) target(%dma_start3A_103 : memref<10240x128xf32, #tpu.memory_space<vmem_shared>>) offsets(%dma_start3A_100 : memref<128xi32, #tpu.memory_space<vmem>>) semaphore(%run_scoped3A_97 : memref<!tpu.dma_semaphore, #tpu.memory_space<semaphore_mem>>) {add = true}
        %dma_wait3A_104 = arith.constant 0 : i32
        %dma_wait3A_105 = tpu.memref_slice %arg6[%run_scoped3A, %dma_wait3A_104] : memref<2x128xi32, #tpu.memory_space<vmem>> -> memref<1x128xi32, #tpu.memory_space<vmem>>
        %dma_wait3A_106 = tpu.memref_squeeze %dma_wait3A_105 : memref<1x128xi32, #tpu.memory_space<vmem>> -> memref<128xi32, #tpu.memory_space<vmem>>
        %dma_wait3A_107 = arith.constant 0 : i32
        %dma_wait3A_108 = arith.constant 0 : i32
        %dma_wait3A_109 = tpu.memref_slice %arg10[%dma_wait3A_107, %dma_wait3A_108] : memref<10240x128xf32, #tpu.memory_space<vmem_shared>> -> memref<10240x128xf32, #tpu.memory_space<vmem_shared>>
        tpu.wait_indirect_dma semaphore(%run_scoped3A_97 : memref<!tpu.dma_semaphore, #tpu.memory_space<semaphore_mem>>) src(%arg8 : memref<128x128xf32, #tpu.memory_space<vmem>>) dst(%dma_wait3A_109 : memref<10240x128xf32, #tpu.memory_space<vmem_shared>>)
        tpu.yield
      }) : () -> ()
      %add3A_62 = arith.constant 2 : i32
      %add3A_63 = arith.addi %add3A_49, %add3A_62 : i32
      %lt3A_64 = arith.constant 80 : i32
      %lt3A_65 = arith.cmpi slt, %add3A_63, %lt3A_64 : i32
      %convert_element_type3A_66 = arith.extui %lt3A_65 : i1 to i32
      %cond3A_67 = arith.constant 0 : i32
      %cond3A_68 = arith.cmpi ne, %convert_element_type3A_66, %cond3A_67 : i32
      scf.if %cond3A_68 {
        %add3A_97 = arith.constant 2 : i32
        %add3A_98 = arith.addi %add3A_49, %add3A_97 : i32
        %dma_start3A_99 = arith.constant 0 : i32
        %dma_start3A_100 = arith.constant 0 : i32
        %dma_start3A_101 = tpu.memref_slice %arg3[%add3A, %add3A_98, %dma_start3A_99, %dma_start3A_100] : memref<32x80x2x128xi32, #tpu.memory_space<hbm>> -> memref<1x1x2x128xi32, #tpu.memory_space<hbm>>
        %dma_start3A_102 = tpu.memref_squeeze %dma_start3A_101 : memref<1x1x2x128xi32, #tpu.memory_space<hbm>> -> memref<2x128xi32, #tpu.memory_space<hbm>>
        %dma_start3A_103 = arith.constant 0 : i32
        %dma_start3A_104 = arith.constant 0 : i32
        %dma_start3A_105 = tpu.memref_slice %arg3[%add3A, %add3A_98, %dma_start3A_103, %dma_start3A_104] : memref<32x80x2x128xi32, #tpu.memory_space<hbm>> -> memref<1x1x2x128xi32, #tpu.memory_space<hbm>>
        %dma_start3A_106 = tpu.memref_squeeze %dma_start3A_105 : memref<1x1x2x128xi32, #tpu.memory_space<hbm>> -> memref<2x128xi32, #tpu.memory_space<hbm>>
        tpu.enqueue_dma source(%dma_start3A_106 : memref<2x128xi32, #tpu.memory_space<hbm>>) target(%arg6 : memref<2x128xi32, #tpu.memory_space<vmem>>) target_semaphore(%arg13 : memref<!tpu.dma_semaphore, #tpu.memory_space<semaphore_mem>>)
      } else {
      }
      %mul3A_69 = arith.constant 2 : i32
      %mul3A_70 = arith.muli %mul3A_69, %scan3A_45 : i32
      %add3A_71 = arith.constant 1 : i32
      %add3A_72 = arith.addi %mul3A_70, %add3A_71 : i32
      %dma_wait3A_73 = arith.constant 0 : i32
      %dma_wait3A_74 = arith.constant 0 : i32
      %dma_wait3A_75 = tpu.memref_slice %arg7[%dma_wait3A_73, %dma_wait3A_74] : memref<2x128xi32, #tpu.memory_space<vmem>> -> memref<1x128xi32, #tpu.memory_space<vmem>>
      %dma_wait3A_76 = tpu.memref_squeeze %dma_wait3A_75 : memref<1x128xi32, #tpu.memory_space<vmem>> -> memref<128xi32, #tpu.memory_space<vmem>>
      %dma_wait3A_77 = arith.constant 0 : i32
      %dma_wait3A_78 = arith.constant 0 : i32
      %dma_wait3A_79 = tpu.memref_slice %arg2[%dma_wait3A_77, %dma_wait3A_78] : memref<10240x128xf32, #tpu.memory_space<hbm>> -> memref<10240x128xf32, #tpu.memory_space<hbm>>
      tpu.wait_indirect_dma semaphore(%arg12 : memref<!tpu.dma_semaphore, #tpu.memory_space<semaphore_mem>>) src(%dma_wait3A_79 : memref<10240x128xf32, #tpu.memory_space<hbm>>) dst(%arg9 : memref<128x128xf32, #tpu.memory_space<vmem>>)
      %add3A_80 = arith.constant 2 : i32
      %add3A_81 = arith.addi %add3A_72, %add3A_80 : i32
      %sub3A_82 = arith.constant 1 : i32
      %sub3A_83 = arith.subi %add3A_81, %sub3A_82 : i32
      %lt3A_84 = arith.constant 80 : i32
      %lt3A_85 = arith.cmpi slt, %sub3A_83, %lt3A_84 : i32
      %convert_element_type3A_86 = arith.extui %lt3A_85 : i1 to i32
      %cond3A_87 = arith.constant 0 : i32
      %cond3A_88 = arith.cmpi ne, %convert_element_type3A_86, %cond3A_87 : i32
      scf.if %cond3A_88 {
        %add3A_97 = arith.constant 2 : i32
        %add3A_98 = arith.addi %add3A_72, %add3A_97 : i32
        %sub3A_99 = arith.constant 1 : i32
        %sub3A_100 = arith.subi %add3A_98, %sub3A_99 : i32
        %dma_wait3A_101 = arith.constant 0 : i32
        %dma_wait3A_102 = arith.constant 0 : i32
        %dma_wait3A_103 = tpu.memref_slice %arg3[%add3A, %sub3A_100, %dma_wait3A_101, %dma_wait3A_102] : memref<32x80x2x128xi32, #tpu.memory_space<hbm>> -> memref<1x1x2x128xi32, #tpu.memory_space<hbm>>
        %dma_wait3A_104 = tpu.memref_squeeze %dma_wait3A_103 : memref<1x1x2x128xi32, #tpu.memory_space<hbm>> -> memref<2x128xi32, #tpu.memory_space<hbm>>
        %dma_wait3A_105 = arith.constant 0 : i32
        %dma_wait3A_106 = arith.constant 0 : i32
        %dma_wait3A_107 = tpu.memref_slice %arg3[%add3A, %sub3A_100, %dma_wait3A_105, %dma_wait3A_106] : memref<32x80x2x128xi32, #tpu.memory_space<hbm>> -> memref<1x1x2x128xi32, #tpu.memory_space<hbm>>
        %dma_wait3A_108 = tpu.memref_squeeze %dma_wait3A_107 : memref<1x1x2x128xi32, #tpu.memory_space<hbm>> -> memref<2x128xi32, #tpu.memory_space<hbm>>
        tpu.wait_dma2 semaphore(%arg13 : memref<!tpu.dma_semaphore, #tpu.memory_space<semaphore_mem>>) src(%dma_wait3A_108 : memref<2x128xi32, #tpu.memory_space<hbm>>) dst(%arg6 : memref<2x128xi32, #tpu.memory_space<vmem>>)
        %dma_start3A_109 = arith.constant 0 : i32
        %dma_start3A_110 = arith.constant 0 : i32
        %dma_start3A_111 = tpu.memref_slice %arg6[%dma_start3A_109, %dma_start3A_110] : memref<2x128xi32, #tpu.memory_space<vmem>> -> memref<1x128xi32, #tpu.memory_space<vmem>>
        %dma_start3A_112 = tpu.memref_squeeze %dma_start3A_111 : memref<1x128xi32, #tpu.memory_space<vmem>> -> memref<128xi32, #tpu.memory_space<vmem>>
        %dma_start3A_113 = arith.constant 0 : i32
        %dma_start3A_114 = arith.constant 0 : i32
        %dma_start3A_115 = tpu.memref_slice %arg2[%dma_start3A_113, %dma_start3A_114] : memref<10240x128xf32, #tpu.memory_space<hbm>> -> memref<10240x128xf32, #tpu.memory_space<hbm>>
        tpu.enqueue_indirect_dma source(%dma_start3A_115 : memref<10240x128xf32, #tpu.memory_space<hbm>>) target(%arg8 : memref<128x128xf32, #tpu.memory_space<vmem>>) offsets(%dma_start3A_112 : memref<128xi32, #tpu.memory_space<vmem>>) semaphore(%arg11 : memref<!tpu.dma_semaphore, #tpu.memory_space<semaphore_mem>>)
      } else {
      }
      %run_scoped3A_89 = arith.constant 1 : i32
      "tpu.region"() ({
        %run_scoped3A_97 = tpu.sem_alloc : memref<!tpu.dma_semaphore, #tpu.memory_space<semaphore_mem>>
        %dma_start3A_98 = arith.constant 0 : i32
        %dma_start3A_99 = tpu.memref_slice %arg7[%run_scoped3A_89, %dma_start3A_98] : memref<2x128xi32, #tpu.memory_space<vmem>> -> memref<1x128xi32, #tpu.memory_space<vmem>>
        %dma_start3A_100 = tpu.memref_squeeze %dma_start3A_99 : memref<1x128xi32, #tpu.memory_space<vmem>> -> memref<128xi32, #tpu.memory_space<vmem>>
        %dma_start3A_101 = arith.constant 0 : i32
        %dma_start3A_102 = arith.constant 0 : i32
        %dma_start3A_103 = tpu.memref_slice %arg10[%dma_start3A_101, %dma_start3A_102] : memref<10240x128xf32, #tpu.memory_space<vmem_shared>> -> memref<10240x128xf32, #tpu.memory_space<vmem_shared>>
        tpu.enqueue_indirect_dma source(%arg9 : memref<128x128xf32, #tpu.memory_space<vmem>>) target(%dma_start3A_103 : memref<10240x128xf32, #tpu.memory_space<vmem_shared>>) offsets(%dma_start3A_100 : memref<128xi32, #tpu.memory_space<vmem>>) semaphore(%run_scoped3A_97 : memref<!tpu.dma_semaphore, #tpu.memory_space<semaphore_mem>>) {add = true}
        %dma_wait3A_104 = arith.constant 0 : i32
        %dma_wait3A_105 = tpu.memref_slice %arg7[%run_scoped3A_89, %dma_wait3A_104] : memref<2x128xi32, #tpu.memory_space<vmem>> -> memref<1x128xi32, #tpu.memory_space<vmem>>
        %dma_wait3A_106 = tpu.memref_squeeze %dma_wait3A_105 : memref<1x128xi32, #tpu.memory_space<vmem>> -> memref<128xi32, #tpu.memory_space<vmem>>
        %dma_wait3A_107 = arith.constant 0 : i32
        %dma_wait3A_108 = arith.constant 0 : i32
        %dma_wait3A_109 = tpu.memref_slice %arg10[%dma_wait3A_107, %dma_wait3A_108] : memref<10240x128xf32, #tpu.memory_space<vmem_shared>> -> memref<10240x128xf32, #tpu.memory_space<vmem_shared>>
        tpu.wait_indirect_dma semaphore(%run_scoped3A_97 : memref<!tpu.dma_semaphore, #tpu.memory_space<semaphore_mem>>) src(%arg9 : memref<128x128xf32, #tpu.memory_space<vmem>>) dst(%dma_wait3A_109 : memref<10240x128xf32, #tpu.memory_space<vmem_shared>>)
        tpu.yield
      }) : () -> ()
      %add3A_90 = arith.constant 2 : i32
      %add3A_91 = arith.addi %add3A_72, %add3A_90 : i32
      %lt3A_92 = arith.constant 80 : i32
      %lt3A_93 = arith.cmpi slt, %add3A_91, %lt3A_92 : i32
      %convert_element_type3A_94 = arith.extui %lt3A_93 : i1 to i32
      %cond3A_95 = arith.constant 0 : i32
      %cond3A_96 = arith.cmpi ne, %convert_element_type3A_94, %cond3A_95 : i32
      scf.if %cond3A_96 {
        %add3A_97 = arith.constant 2 : i32
        %add3A_98 = arith.addi %add3A_72, %add3A_97 : i32
        %dma_start3A_99 = arith.constant 0 : i32
        %dma_start3A_100 = arith.constant 0 : i32
        %dma_start3A_101 = tpu.memref_slice %arg3[%add3A, %add3A_98, %dma_start3A_99, %dma_start3A_100] : memref<32x80x2x128xi32, #tpu.memory_space<hbm>> -> memref<1x1x2x128xi32, #tpu.memory_space<hbm>>
        %dma_start3A_102 = tpu.memref_squeeze %dma_start3A_101 : memref<1x1x2x128xi32, #tpu.memory_space<hbm>> -> memref<2x128xi32, #tpu.memory_space<hbm>>
        %dma_start3A_103 = arith.constant 0 : i32
        %dma_start3A_104 = arith.constant 0 : i32
        %dma_start3A_105 = tpu.memref_slice %arg3[%add3A, %add3A_98, %dma_start3A_103, %dma_start3A_104] : memref<32x80x2x128xi32, #tpu.memory_space<hbm>> -> memref<1x1x2x128xi32, #tpu.memory_space<hbm>>
        %dma_start3A_106 = tpu.memref_squeeze %dma_start3A_105 : memref<1x1x2x128xi32, #tpu.memory_space<hbm>> -> memref<2x128xi32, #tpu.memory_space<hbm>>
        tpu.enqueue_dma source(%dma_start3A_106 : memref<2x128xi32, #tpu.memory_space<hbm>>) target(%arg7 : memref<2x128xi32, #tpu.memory_space<vmem>>) target_semaphore(%arg14 : memref<!tpu.dma_semaphore, #tpu.memory_space<semaphore_mem>>)
      } else {
      }
    }
    %scan3A_39 = arith.constant 40 : i32
    %barrier3A_40 = arith.constant 0 : index
    tpu.barrier barrier_id(%barrier3A_40)
    %mul3A_41 = arith.constant 640 : i32
    %mul3A_42 = arith.muli %arg1, %mul3A_41 : i32
    %mul3A_43 = arith.constant 640 : i32
    %mul3A_44 = arith.muli %arg1, %mul3A_43 : i32
    "tpu.region"() ({
      %run_scoped3A = tpu.sem_alloc : memref<!tpu.dma_semaphore, #tpu.memory_space<semaphore_mem>>
      %dma_start3A_45 = arith.constant 0 : i32
      %dma_start3A_46 = tpu.memref_slice %arg5[%arg0, %mul3A_44, %dma_start3A_45] : memref<2x10240x128xf32, #tpu.memory_space<hbm>> -> memref<1x640x128xf32, #tpu.memory_space<hbm>>
      %dma_start3A_47 = tpu.memref_squeeze %dma_start3A_46 : memref<1x640x128xf32, #tpu.memory_space<hbm>> -> memref<640x128xf32, #tpu.memory_space<hbm>>
      %dma_start3A_48 = arith.constant 0 : i32
      %dma_start3A_49 = tpu.memref_slice %arg10[%mul3A_42, %dma_start3A_48] : memref<10240x128xf32, #tpu.memory_space<vmem_shared>> -> memref<640x128xf32, #tpu.memory_space<vmem_shared>>
      tpu.enqueue_dma source(%dma_start3A_49 : memref<640x128xf32, #tpu.memory_space<vmem_shared>>) target(%dma_start3A_47 : memref<640x128xf32, #tpu.memory_space<hbm>>) target_semaphore(%run_scoped3A : memref<!tpu.dma_semaphore, #tpu.memory_space<semaphore_mem>>)
      %dma_wait3A_50 = arith.constant 0 : i32
      %dma_wait3A_51 = tpu.memref_slice %arg5[%arg0, %mul3A_44, %dma_wait3A_50] : memref<2x10240x128xf32, #tpu.memory_space<hbm>> -> memref<1x640x128xf32, #tpu.memory_space<hbm>>
      %dma_wait3A_52 = tpu.memref_squeeze %dma_wait3A_51 : memref<1x640x128xf32, #tpu.memory_space<hbm>> -> memref<640x128xf32, #tpu.memory_space<hbm>>
      %dma_wait3A_53 = arith.constant 0 : i32
      %dma_wait3A_54 = tpu.memref_slice %arg10[%mul3A_42, %dma_wait3A_53] : memref<10240x128xf32, #tpu.memory_space<vmem_shared>> -> memref<640x128xf32, #tpu.memory_space<vmem_shared>>
      tpu.wait_dma2 semaphore(%run_scoped3A : memref<!tpu.dma_semaphore, #tpu.memory_space<semaphore_mem>>) src(%dma_wait3A_54 : memref<640x128xf32, #tpu.memory_space<vmem_shared>>) dst(%dma_wait3A_52 : memref<640x128xf32, #tpu.memory_space<hbm>>)
      tpu.yield
    }) : () -> ()
    return
  }
}

#map = affine_map<(d0, d1) -> (0, 0)>
#map1 = affine_map<(d0, d1) -> (0, 0, 0, 0)>
#map2 = affine_map<(d0, d1) -> (0, 0, 0)>
module attributes {stable_mosaic.version = 14 : i64} {
  func.func @sc_agg(%arg0: i32, %arg1: i32, %arg2: memref<10240x128xf32, #tpu.memory_space<hbm>>, %arg3: memref<32x80x2x128xi32, #tpu.memory_space<hbm>>, %arg4: memref<640x128xf32, #tpu.memory_space<hbm>>, %arg5: memref<2x10240x128xf32, #tpu.memory_space<hbm>>, %arg6: memref<2x128xi32, #tpu.memory_space<vmem>>, %arg7: memref<2x128xi32, #tpu.memory_space<vmem>>, %arg8: memref<128x128xf32, #tpu.memory_space<vmem>>, %arg9: memref<128x128xf32, #tpu.memory_space<vmem>>, %arg10: memref<10240x128xf32, #tpu.memory_space<vmem_shared>>, %arg11: memref<!tpu.dma_semaphore, #tpu.memory_space<semaphore_mem>>, %arg12: memref<!tpu.dma_semaphore, #tpu.memory_space<semaphore_mem>>, %arg13: memref<!tpu.dma_semaphore, #tpu.memory_space<semaphore_mem>>, %arg14: memref<!tpu.dma_semaphore, #tpu.memory_space<semaphore_mem>>) attributes {dimension_semantics = [#tpu.dimension_semantics<core_parallel>, #tpu.dimension_semantics<subcore_parallel>], iteration_bounds = array<i64: 2, 16>, scalar_prefetch = 0 : i64, scratch_operands = 9 : i64, tpu.core_type = #tpu.core_type<sc_vector_subcore>, window_params = [{transform_indices = #map}, {transform_indices = #map1}, {transform_indices = #map}, {transform_indices = #map2}]} {
    %mul3A = arith.constant 16 : i32
    %mul3A_0 = arith.muli %arg0, %mul3A : i32
    %add3A = arith.addi %mul3A_0, %arg1 : i32
    %mul3A_1 = arith.constant 640 : i32
    %mul3A_2 = arith.muli %arg1, %mul3A_1 : i32
    "tpu.region"() ({
      %run_scoped3A = tpu.sem_alloc : memref<!tpu.dma_semaphore, #tpu.memory_space<semaphore_mem>>
      %dma_start3A_45 = arith.constant 0 : i32
      %dma_start3A_46 = tpu.memref_slice %arg10[%mul3A_2, %dma_start3A_45] : memref<10240x128xf32, #tpu.memory_space<vmem_shared>> -> memref<640x128xf32, #tpu.memory_space<vmem_shared>>
      tpu.enqueue_dma source(%arg4 : memref<640x128xf32, #tpu.memory_space<hbm>>) target(%dma_start3A_46 : memref<640x128xf32, #tpu.memory_space<vmem_shared>>) target_semaphore(%run_scoped3A : memref<!tpu.dma_semaphore, #tpu.memory_space<semaphore_mem>>)
      %dma_wait3A_47 = arith.constant 0 : i32
      %dma_wait3A_48 = tpu.memref_slice %arg10[%mul3A_2, %dma_wait3A_47] : memref<10240x128xf32, #tpu.memory_space<vmem_shared>> -> memref<640x128xf32, #tpu.memory_space<vmem_shared>>
      tpu.wait_dma2 semaphore(%run_scoped3A : memref<!tpu.dma_semaphore, #tpu.memory_space<semaphore_mem>>) src(%arg4 : memref<640x128xf32, #tpu.memory_space<hbm>>) dst(%dma_wait3A_48 : memref<640x128xf32, #tpu.memory_space<vmem_shared>>)
      tpu.yield
    }) : () -> ()
    %barrier3A = arith.constant 0 : index
    tpu.barrier barrier_id(%barrier3A)
    %dma_start3A = arith.constant 0 : i32
    %dma_start3A_3 = arith.constant 0 : i32
    %dma_start3A_4 = arith.constant 0 : i32
    %dma_start3A_5 = tpu.memref_slice %arg3[%add3A, %dma_start3A, %dma_start3A_3, %dma_start3A_4] : memref<32x80x2x128xi32, #tpu.memory_space<hbm>> -> memref<1x1x2x128xi32, #tpu.memory_space<hbm>>
    %dma_start3A_6 = tpu.memref_squeeze %dma_start3A_5 : memref<1x1x2x128xi32, #tpu.memory_space<hbm>> -> memref<2x128xi32, #tpu.memory_space<hbm>>
    %dma_start3A_7 = arith.constant 0 : i32
    %dma_start3A_8 = arith.constant 0 : i32
    %dma_start3A_9 = tpu.memref_slice %arg3[%add3A, %dma_start3A, %dma_start3A_7, %dma_start3A_8] : memref<32x80x2x128xi32, #tpu.memory_space<hbm>> -> memref<1x1x2x128xi32, #tpu.memory_space<hbm>>
    %dma_start3A_10 = tpu.memref_squeeze %dma_start3A_9 : memref<1x1x2x128xi32, #tpu.memory_space<hbm>> -> memref<2x128xi32, #tpu.memory_space<hbm>>
    tpu.enqueue_dma source(%dma_start3A_10 : memref<2x128xi32, #tpu.memory_space<hbm>>) target(%arg6 : memref<2x128xi32, #tpu.memory_space<vmem>>) target_semaphore(%arg13 : memref<!tpu.dma_semaphore, #tpu.memory_space<semaphore_mem>>)
    %dma_start3A_11 = arith.constant 1 : i32
    %dma_start3A_12 = arith.constant 0 : i32
    %dma_start3A_13 = arith.constant 0 : i32
    %dma_start3A_14 = tpu.memref_slice %arg3[%add3A, %dma_start3A_11, %dma_start3A_12, %dma_start3A_13] : memref<32x80x2x128xi32, #tpu.memory_space<hbm>> -> memref<1x1x2x128xi32, #tpu.memory_space<hbm>>
    %dma_start3A_15 = tpu.memref_squeeze %dma_start3A_14 : memref<1x1x2x128xi32, #tpu.memory_space<hbm>> -> memref<2x128xi32, #tpu.memory_space<hbm>>
    %dma_start3A_16 = arith.constant 0 : i32
    %dma_start3A_17 = arith.constant 0 : i32
    %dma_start3A_18 = tpu.memref_slice %arg3[%add3A, %dma_start3A_11, %dma_start3A_16, %dma_start3A_17] : memref<32x80x2x128xi32, #tpu.memory_space<hbm>> -> memref<1x1x2x128xi32, #tpu.memory_space<hbm>>
    %dma_start3A_19 = tpu.memref_squeeze %dma_start3A_18 : memref<1x1x2x128xi32, #tpu.memory_space<hbm>> -> memref<2x128xi32, #tpu.memory_space<hbm>>
    tpu.enqueue_dma source(%dma_start3A_19 : memref<2x128xi32, #tpu.memory_space<hbm>>) target(%arg7 : memref<2x128xi32, #tpu.memory_space<vmem>>) target_semaphore(%arg14 : memref<!tpu.dma_semaphore, #tpu.memory_space<semaphore_mem>>)
    %dma_wait3A = arith.constant 0 : i32
    %dma_wait3A_20 = arith.constant 0 : i32
    %dma_wait3A_21 = arith.constant 0 : i32
    %dma_wait3A_22 = tpu.memref_slice %arg3[%add3A, %dma_wait3A, %dma_wait3A_20, %dma_wait3A_21] : memref<32x80x2x128xi32, #tpu.memory_space<hbm>> -> memref<1x1x2x128xi32, #tpu.memory_space<hbm>>
    %dma_wait3A_23 = tpu.memref_squeeze %dma_wait3A_22 : memref<1x1x2x128xi32, #tpu.memory_space<hbm>> -> memref<2x128xi32, #tpu.memory_space<hbm>>
    %dma_wait3A_24 = arith.constant 0 : i32
    %dma_wait3A_25 = arith.constant 0 : i32
    %dma_wait3A_26 = tpu.memref_slice %arg3[%add3A, %dma_wait3A, %dma_wait3A_24, %dma_wait3A_25] : memref<32x80x2x128xi32, #tpu.memory_space<hbm>> -> memref<1x1x2x128xi32, #tpu.memory_space<hbm>>
    %dma_wait3A_27 = tpu.memref_squeeze %dma_wait3A_26 : memref<1x1x2x128xi32, #tpu.memory_space<hbm>> -> memref<2x128xi32, #tpu.memory_space<hbm>>
    tpu.wait_dma2 semaphore(%arg13 : memref<!tpu.dma_semaphore, #tpu.memory_space<semaphore_mem>>) src(%dma_wait3A_27 : memref<2x128xi32, #tpu.memory_space<hbm>>) dst(%arg6 : memref<2x128xi32, #tpu.memory_space<vmem>>)
    %dma_start3A_28 = arith.constant 0 : i32
    %dma_start3A_29 = arith.constant 0 : i32
    %dma_start3A_30 = tpu.memref_slice %arg6[%dma_start3A_28, %dma_start3A_29] : memref<2x128xi32, #tpu.memory_space<vmem>> -> memref<1x128xi32, #tpu.memory_space<vmem>>
    %dma_start3A_31 = tpu.memref_squeeze %dma_start3A_30 : memref<1x128xi32, #tpu.memory_space<vmem>> -> memref<128xi32, #tpu.memory_space<vmem>>
    %dma_start3A_32 = arith.constant 0 : i32
    %dma_start3A_33 = arith.constant 0 : i32
    %dma_start3A_34 = tpu.memref_slice %arg2[%dma_start3A_32, %dma_start3A_33] : memref<10240x128xf32, #tpu.memory_space<hbm>> -> memref<10240x128xf32, #tpu.memory_space<hbm>>
    tpu.enqueue_indirect_dma source(%dma_start3A_34 : memref<10240x128xf32, #tpu.memory_space<hbm>>) target(%arg8 : memref<128x128xf32, #tpu.memory_space<vmem>>) offsets(%dma_start3A_31 : memref<128xi32, #tpu.memory_space<vmem>>) semaphore(%arg11 : memref<!tpu.dma_semaphore, #tpu.memory_space<semaphore_mem>>)
    %scan3A = arith.constant 0 : i32
    %scan3A_35 = arith.constant 0 : i32
    %scan3A_36 = arith.constant 40 : i32
    %scan3A_37 = arith.addi %scan3A_35, %scan3A_36 : i32
    %scan3A_38 = arith.constant 1 : i32
    scf.for %scan3A_45 = %scan3A_35 to %scan3A_37 step %scan3A_38  : i32 {
      %mul3A_46 = arith.constant 2 : i32
      %mul3A_47 = arith.muli %mul3A_46, %scan3A_45 : i32
      %add3A_48 = arith.constant 0 : i32
      %add3A_49 = arith.addi %mul3A_47, %add3A_48 : i32
      %dma_wait3A_50 = arith.constant 0 : i32
      %dma_wait3A_51 = arith.constant 0 : i32
      %dma_wait3A_52 = tpu.memref_slice %arg6[%dma_wait3A_50, %dma_wait3A_51] : memref<2x128xi32, #tpu.memory_space<vmem>> -> memref<1x128xi32, #tpu.memory_space<vmem>>
      %dma_wait3A_53 = tpu.memref_squeeze %dma_wait3A_52 : memref<1x128xi32, #tpu.memory_space<vmem>> -> memref<128xi32, #tpu.memory_space<vmem>>
      %dma_wait3A_54 = arith.constant 0 : i32
      %dma_wait3A_55 = arith.constant 0 : i32
      %dma_wait3A_56 = tpu.memref_slice %arg2[%dma_wait3A_54, %dma_wait3A_55] : memref<10240x128xf32, #tpu.memory_space<hbm>> -> memref<10240x128xf32, #tpu.memory_space<hbm>>
      tpu.wait_indirect_dma semaphore(%arg11 : memref<!tpu.dma_semaphore, #tpu.memory_space<semaphore_mem>>) src(%dma_wait3A_56 : memref<10240x128xf32, #tpu.memory_space<hbm>>) dst(%arg8 : memref<128x128xf32, #tpu.memory_space<vmem>>)
      %add3A_57 = arith.constant 2 : i32
      %add3A_58 = arith.addi %add3A_49, %add3A_57 : i32
      %sub3A = arith.constant 1 : i32
      %sub3A_59 = arith.subi %add3A_58, %sub3A : i32
      %lt3A = arith.constant 80 : i32
      %lt3A_60 = arith.cmpi slt, %sub3A_59, %lt3A : i32
      %convert_element_type3A = arith.extui %lt3A_60 : i1 to i32
      %cond3A = arith.constant 0 : i32
      %cond3A_61 = arith.cmpi ne, %convert_element_type3A, %cond3A : i32
      scf.if %cond3A_61 {
        %add3A_97 = arith.constant 2 : i32
        %add3A_98 = arith.addi %add3A_49, %add3A_97 : i32
        %sub3A_99 = arith.constant 1 : i32
        %sub3A_100 = arith.subi %add3A_98, %sub3A_99 : i32
        %dma_wait3A_101 = arith.constant 0 : i32
        %dma_wait3A_102 = arith.constant 0 : i32
        %dma_wait3A_103 = tpu.memref_slice %arg3[%add3A, %sub3A_100, %dma_wait3A_101, %dma_wait3A_102] : memref<32x80x2x128xi32, #tpu.memory_space<hbm>> -> memref<1x1x2x128xi32, #tpu.memory_space<hbm>>
        %dma_wait3A_104 = tpu.memref_squeeze %dma_wait3A_103 : memref<1x1x2x128xi32, #tpu.memory_space<hbm>> -> memref<2x128xi32, #tpu.memory_space<hbm>>
        %dma_wait3A_105 = arith.constant 0 : i32
        %dma_wait3A_106 = arith.constant 0 : i32
        %dma_wait3A_107 = tpu.memref_slice %arg3[%add3A, %sub3A_100, %dma_wait3A_105, %dma_wait3A_106] : memref<32x80x2x128xi32, #tpu.memory_space<hbm>> -> memref<1x1x2x128xi32, #tpu.memory_space<hbm>>
        %dma_wait3A_108 = tpu.memref_squeeze %dma_wait3A_107 : memref<1x1x2x128xi32, #tpu.memory_space<hbm>> -> memref<2x128xi32, #tpu.memory_space<hbm>>
        tpu.wait_dma2 semaphore(%arg14 : memref<!tpu.dma_semaphore, #tpu.memory_space<semaphore_mem>>) src(%dma_wait3A_108 : memref<2x128xi32, #tpu.memory_space<hbm>>) dst(%arg7 : memref<2x128xi32, #tpu.memory_space<vmem>>)
        %dma_start3A_109 = arith.constant 0 : i32
        %dma_start3A_110 = arith.constant 0 : i32
        %dma_start3A_111 = tpu.memref_slice %arg7[%dma_start3A_109, %dma_start3A_110] : memref<2x128xi32, #tpu.memory_space<vmem>> -> memref<1x128xi32, #tpu.memory_space<vmem>>
        %dma_start3A_112 = tpu.memref_squeeze %dma_start3A_111 : memref<1x128xi32, #tpu.memory_space<vmem>> -> memref<128xi32, #tpu.memory_space<vmem>>
        %dma_start3A_113 = arith.constant 0 : i32
        %dma_start3A_114 = arith.constant 0 : i32
        %dma_start3A_115 = tpu.memref_slice %arg2[%dma_start3A_113, %dma_start3A_114] : memref<10240x128xf32, #tpu.memory_space<hbm>> -> memref<10240x128xf32, #tpu.memory_space<hbm>>
        tpu.enqueue_indirect_dma source(%dma_start3A_115 : memref<10240x128xf32, #tpu.memory_space<hbm>>) target(%arg9 : memref<128x128xf32, #tpu.memory_space<vmem>>) offsets(%dma_start3A_112 : memref<128xi32, #tpu.memory_space<vmem>>) semaphore(%arg12 : memref<!tpu.dma_semaphore, #tpu.memory_space<semaphore_mem>>)
      } else {
      }
      %run_scoped3A = arith.constant 1 : i32
      "tpu.region"() ({
        %run_scoped3A_97 = tpu.sem_alloc : memref<!tpu.dma_semaphore, #tpu.memory_space<semaphore_mem>>
        %dma_start3A_98 = arith.constant 0 : i32
        %dma_start3A_99 = tpu.memref_slice %arg6[%run_scoped3A, %dma_start3A_98] : memref<2x128xi32, #tpu.memory_space<vmem>> -> memref<1x128xi32, #tpu.memory_space<vmem>>
        %dma_start3A_100 = tpu.memref_squeeze %dma_start3A_99 : memref<1x128xi32, #tpu.memory_space<vmem>> -> memref<128xi32, #tpu.memory_space<vmem>>
        %dma_start3A_101 = arith.constant 0 : i32
        %dma_start3A_102 = arith.constant 0 : i32
        %dma_start3A_103 = tpu.memref_slice %arg10[%dma_start3A_101, %dma_start3A_102] : memref<10240x128xf32, #tpu.memory_space<vmem_shared>> -> memref<10240x128xf32, #tpu.memory_space<vmem_shared>>
        tpu.enqueue_indirect_dma source(%arg8 : memref<128x128xf32, #tpu.memory_space<vmem>>) target(%dma_start3A_103 : memref<10240x128xf32, #tpu.memory_space<vmem_shared>>) offsets(%dma_start3A_100 : memref<128xi32, #tpu.memory_space<vmem>>) semaphore(%run_scoped3A_97 : memref<!tpu.dma_semaphore, #tpu.memory_space<semaphore_mem>>) {add = true}
        %dma_wait3A_104 = arith.constant 0 : i32
        %dma_wait3A_105 = tpu.memref_slice %arg6[%run_scoped3A, %dma_wait3A_104] : memref<2x128xi32, #tpu.memory_space<vmem>> -> memref<1x128xi32, #tpu.memory_space<vmem>>
        %dma_wait3A_106 = tpu.memref_squeeze %dma_wait3A_105 : memref<1x128xi32, #tpu.memory_space<vmem>> -> memref<128xi32, #tpu.memory_space<vmem>>
        %dma_wait3A_107 = arith.constant 0 : i32
        %dma_wait3A_108 = arith.constant 0 : i32
        %dma_wait3A_109 = tpu.memref_slice %arg10[%dma_wait3A_107, %dma_wait3A_108] : memref<10240x128xf32, #tpu.memory_space<vmem_shared>> -> memref<10240x128xf32, #tpu.memory_space<vmem_shared>>
        tpu.wait_indirect_dma semaphore(%run_scoped3A_97 : memref<!tpu.dma_semaphore, #tpu.memory_space<semaphore_mem>>) src(%arg8 : memref<128x128xf32, #tpu.memory_space<vmem>>) dst(%dma_wait3A_109 : memref<10240x128xf32, #tpu.memory_space<vmem_shared>>)
        tpu.yield
      }) : () -> ()
      %add3A_62 = arith.constant 2 : i32
      %add3A_63 = arith.addi %add3A_49, %add3A_62 : i32
      %lt3A_64 = arith.constant 80 : i32
      %lt3A_65 = arith.cmpi slt, %add3A_63, %lt3A_64 : i32
      %convert_element_type3A_66 = arith.extui %lt3A_65 : i1 to i32
      %cond3A_67 = arith.constant 0 : i32
      %cond3A_68 = arith.cmpi ne, %convert_element_type3A_66, %cond3A_67 : i32
      scf.if %cond3A_68 {
        %add3A_97 = arith.constant 2 : i32
        %add3A_98 = arith.addi %add3A_49, %add3A_97 : i32
        %dma_start3A_99 = arith.constant 0 : i32
        %dma_start3A_100 = arith.constant 0 : i32
        %dma_start3A_101 = tpu.memref_slice %arg3[%add3A, %add3A_98, %dma_start3A_99, %dma_start3A_100] : memref<32x80x2x128xi32, #tpu.memory_space<hbm>> -> memref<1x1x2x128xi32, #tpu.memory_space<hbm>>
        %dma_start3A_102 = tpu.memref_squeeze %dma_start3A_101 : memref<1x1x2x128xi32, #tpu.memory_space<hbm>> -> memref<2x128xi32, #tpu.memory_space<hbm>>
        %dma_start3A_103 = arith.constant 0 : i32
        %dma_start3A_104 = arith.constant 0 : i32
        %dma_start3A_105 = tpu.memref_slice %arg3[%add3A, %add3A_98, %dma_start3A_103, %dma_start3A_104] : memref<32x80x2x128xi32, #tpu.memory_space<hbm>> -> memref<1x1x2x128xi32, #tpu.memory_space<hbm>>
        %dma_start3A_106 = tpu.memref_squeeze %dma_start3A_105 : memref<1x1x2x128xi32, #tpu.memory_space<hbm>> -> memref<2x128xi32, #tpu.memory_space<hbm>>
        tpu.enqueue_dma source(%dma_start3A_106 : memref<2x128xi32, #tpu.memory_space<hbm>>) target(%arg6 : memref<2x128xi32, #tpu.memory_space<vmem>>) target_semaphore(%arg13 : memref<!tpu.dma_semaphore, #tpu.memory_space<semaphore_mem>>)
      } else {
      }
      %mul3A_69 = arith.constant 2 : i32
      %mul3A_70 = arith.muli %mul3A_69, %scan3A_45 : i32
      %add3A_71 = arith.constant 1 : i32
      %add3A_72 = arith.addi %mul3A_70, %add3A_71 : i32
      %dma_wait3A_73 = arith.constant 0 : i32
      %dma_wait3A_74 = arith.constant 0 : i32
      %dma_wait3A_75 = tpu.memref_slice %arg7[%dma_wait3A_73, %dma_wait3A_74] : memref<2x128xi32, #tpu.memory_space<vmem>> -> memref<1x128xi32, #tpu.memory_space<vmem>>
      %dma_wait3A_76 = tpu.memref_squeeze %dma_wait3A_75 : memref<1x128xi32, #tpu.memory_space<vmem>> -> memref<128xi32, #tpu.memory_space<vmem>>
      %dma_wait3A_77 = arith.constant 0 : i32
      %dma_wait3A_78 = arith.constant 0 : i32
      %dma_wait3A_79 = tpu.memref_slice %arg2[%dma_wait3A_77, %dma_wait3A_78] : memref<10240x128xf32, #tpu.memory_space<hbm>> -> memref<10240x128xf32, #tpu.memory_space<hbm>>
      tpu.wait_indirect_dma semaphore(%arg12 : memref<!tpu.dma_semaphore, #tpu.memory_space<semaphore_mem>>) src(%dma_wait3A_79 : memref<10240x128xf32, #tpu.memory_space<hbm>>) dst(%arg9 : memref<128x128xf32, #tpu.memory_space<vmem>>)
      %add3A_80 = arith.constant 2 : i32
      %add3A_81 = arith.addi %add3A_72, %add3A_80 : i32
      %sub3A_82 = arith.constant 1 : i32
      %sub3A_83 = arith.subi %add3A_81, %sub3A_82 : i32
      %lt3A_84 = arith.constant 80 : i32
      %lt3A_85 = arith.cmpi slt, %sub3A_83, %lt3A_84 : i32
      %convert_element_type3A_86 = arith.extui %lt3A_85 : i1 to i32
      %cond3A_87 = arith.constant 0 : i32
      %cond3A_88 = arith.cmpi ne, %convert_element_type3A_86, %cond3A_87 : i32
      scf.if %cond3A_88 {
        %add3A_97 = arith.constant 2 : i32
        %add3A_98 = arith.addi %add3A_72, %add3A_97 : i32
        %sub3A_99 = arith.constant 1 : i32
        %sub3A_100 = arith.subi %add3A_98, %sub3A_99 : i32
        %dma_wait3A_101 = arith.constant 0 : i32
        %dma_wait3A_102 = arith.constant 0 : i32
        %dma_wait3A_103 = tpu.memref_slice %arg3[%add3A, %sub3A_100, %dma_wait3A_101, %dma_wait3A_102] : memref<32x80x2x128xi32, #tpu.memory_space<hbm>> -> memref<1x1x2x128xi32, #tpu.memory_space<hbm>>
        %dma_wait3A_104 = tpu.memref_squeeze %dma_wait3A_103 : memref<1x1x2x128xi32, #tpu.memory_space<hbm>> -> memref<2x128xi32, #tpu.memory_space<hbm>>
        %dma_wait3A_105 = arith.constant 0 : i32
        %dma_wait3A_106 = arith.constant 0 : i32
        %dma_wait3A_107 = tpu.memref_slice %arg3[%add3A, %sub3A_100, %dma_wait3A_105, %dma_wait3A_106] : memref<32x80x2x128xi32, #tpu.memory_space<hbm>> -> memref<1x1x2x128xi32, #tpu.memory_space<hbm>>
        %dma_wait3A_108 = tpu.memref_squeeze %dma_wait3A_107 : memref<1x1x2x128xi32, #tpu.memory_space<hbm>> -> memref<2x128xi32, #tpu.memory_space<hbm>>
        tpu.wait_dma2 semaphore(%arg13 : memref<!tpu.dma_semaphore, #tpu.memory_space<semaphore_mem>>) src(%dma_wait3A_108 : memref<2x128xi32, #tpu.memory_space<hbm>>) dst(%arg6 : memref<2x128xi32, #tpu.memory_space<vmem>>)
        %dma_start3A_109 = arith.constant 0 : i32
        %dma_start3A_110 = arith.constant 0 : i32
        %dma_start3A_111 = tpu.memref_slice %arg6[%dma_start3A_109, %dma_start3A_110] : memref<2x128xi32, #tpu.memory_space<vmem>> -> memref<1x128xi32, #tpu.memory_space<vmem>>
        %dma_start3A_112 = tpu.memref_squeeze %dma_start3A_111 : memref<1x128xi32, #tpu.memory_space<vmem>> -> memref<128xi32, #tpu.memory_space<vmem>>
        %dma_start3A_113 = arith.constant 0 : i32
        %dma_start3A_114 = arith.constant 0 : i32
        %dma_start3A_115 = tpu.memref_slice %arg2[%dma_start3A_113, %dma_start3A_114] : memref<10240x128xf32, #tpu.memory_space<hbm>> -> memref<10240x128xf32, #tpu.memory_space<hbm>>
        tpu.enqueue_indirect_dma source(%dma_start3A_115 : memref<10240x128xf32, #tpu.memory_space<hbm>>) target(%arg8 : memref<128x128xf32, #tpu.memory_space<vmem>>) offsets(%dma_start3A_112 : memref<128xi32, #tpu.memory_space<vmem>>) semaphore(%arg11 : memref<!tpu.dma_semaphore, #tpu.memory_space<semaphore_mem>>)
      } else {
      }
      %run_scoped3A_89 = arith.constant 1 : i32
      "tpu.region"() ({
        %run_scoped3A_97 = tpu.sem_alloc : memref<!tpu.dma_semaphore, #tpu.memory_space<semaphore_mem>>
        %dma_start3A_98 = arith.constant 0 : i32
        %dma_start3A_99 = tpu.memref_slice %arg7[%run_scoped3A_89, %dma_start3A_98] : memref<2x128xi32, #tpu.memory_space<vmem>> -> memref<1x128xi32, #tpu.memory_space<vmem>>
        %dma_start3A_100 = tpu.memref_squeeze %dma_start3A_99 : memref<1x128xi32, #tpu.memory_space<vmem>> -> memref<128xi32, #tpu.memory_space<vmem>>
        %dma_start3A_101 = arith.constant 0 : i32
        %dma_start3A_102 = arith.constant 0 : i32
        %dma_start3A_103 = tpu.memref_slice %arg10[%dma_start3A_101, %dma_start3A_102] : memref<10240x128xf32, #tpu.memory_space<vmem_shared>> -> memref<10240x128xf32, #tpu.memory_space<vmem_shared>>
        tpu.enqueue_indirect_dma source(%arg9 : memref<128x128xf32, #tpu.memory_space<vmem>>) target(%dma_start3A_103 : memref<10240x128xf32, #tpu.memory_space<vmem_shared>>) offsets(%dma_start3A_100 : memref<128xi32, #tpu.memory_space<vmem>>) semaphore(%run_scoped3A_97 : memref<!tpu.dma_semaphore, #tpu.memory_space<semaphore_mem>>) {add = true}
        %dma_wait3A_104 = arith.constant 0 : i32
        %dma_wait3A_105 = tpu.memref_slice %arg7[%run_scoped3A_89, %dma_wait3A_104] : memref<2x128xi32, #tpu.memory_space<vmem>> -> memref<1x128xi32, #tpu.memory_space<vmem>>
        %dma_wait3A_106 = tpu.memref_squeeze %dma_wait3A_105 : memref<1x128xi32, #tpu.memory_space<vmem>> -> memref<128xi32, #tpu.memory_space<vmem>>
        %dma_wait3A_107 = arith.constant 0 : i32
        %dma_wait3A_108 = arith.constant 0 : i32
        %dma_wait3A_109 = tpu.memref_slice %arg10[%dma_wait3A_107, %dma_wait3A_108] : memref<10240x128xf32, #tpu.memory_space<vmem_shared>> -> memref<10240x128xf32, #tpu.memory_space<vmem_shared>>
        tpu.wait_indirect_dma semaphore(%run_scoped3A_97 : memref<!tpu.dma_semaphore, #tpu.memory_space<semaphore_mem>>) src(%arg9 : memref<128x128xf32, #tpu.memory_space<vmem>>) dst(%dma_wait3A_109 : memref<10240x128xf32, #tpu.memory_space<vmem_shared>>)
        tpu.yield
      }) : () -> ()
      %add3A_90 = arith.constant 2 : i32
      %add3A_91 = arith.addi %add3A_72, %add3A_90 : i32
      %lt3A_92 = arith.constant 80 : i32
      %lt3A_93 = arith.cmpi slt, %add3A_91, %lt3A_92 : i32
      %convert_element_type3A_94 = arith.extui %lt3A_93 : i1 to i32
      %cond3A_95 = arith.constant 0 : i32
      %cond3A_96 = arith.cmpi ne, %convert_element_type3A_94, %cond3A_95 : i32
      scf.if %cond3A_96 {
        %add3A_97 = arith.constant 2 : i32
        %add3A_98 = arith.addi %add3A_72, %add3A_97 : i32
        %dma_start3A_99 = arith.constant 0 : i32
        %dma_start3A_100 = arith.constant 0 : i32
        %dma_start3A_101 = tpu.memref_slice %arg3[%add3A, %add3A_98, %dma_start3A_99, %dma_start3A_100] : memref<32x80x2x128xi32, #tpu.memory_space<hbm>> -> memref<1x1x2x128xi32, #tpu.memory_space<hbm>>
        %dma_start3A_102 = tpu.memref_squeeze %dma_start3A_101 : memref<1x1x2x128xi32, #tpu.memory_space<hbm>> -> memref<2x128xi32, #tpu.memory_space<hbm>>
        %dma_start3A_103 = arith.constant 0 : i32
        %dma_start3A_104 = arith.constant 0 : i32
        %dma_start3A_105 = tpu.memref_slice %arg3[%add3A, %add3A_98, %dma_start3A_103, %dma_start3A_104] : memref<32x80x2x128xi32, #tpu.memory_space<hbm>> -> memref<1x1x2x128xi32, #tpu.memory_space<hbm>>
        %dma_start3A_106 = tpu.memref_squeeze %dma_start3A_105 : memref<1x1x2x128xi32, #tpu.memory_space<hbm>> -> memref<2x128xi32, #tpu.memory_space<hbm>>
        tpu.enqueue_dma source(%dma_start3A_106 : memref<2x128xi32, #tpu.memory_space<hbm>>) target(%arg7 : memref<2x128xi32, #tpu.memory_space<vmem>>) target_semaphore(%arg14 : memref<!tpu.dma_semaphore, #tpu.memory_space<semaphore_mem>>)
      } else {
      }
    }
    %scan3A_39 = arith.constant 40 : i32
    %barrier3A_40 = arith.constant 0 : index
    tpu.barrier barrier_id(%barrier3A_40)
    %mul3A_41 = arith.constant 640 : i32
    %mul3A_42 = arith.muli %arg1, %mul3A_41 : i32
    %mul3A_43 = arith.constant 640 : i32
    %mul3A_44 = arith.muli %arg1, %mul3A_43 : i32
    "tpu.region"() ({
      %run_scoped3A = tpu.sem_alloc : memref<!tpu.dma_semaphore, #tpu.memory_space<semaphore_mem>>
      %dma_start3A_45 = arith.constant 0 : i32
      %dma_start3A_46 = tpu.memref_slice %arg5[%arg0, %mul3A_44, %dma_start3A_45] : memref<2x10240x128xf32, #tpu.memory_space<hbm>> -> memref<1x640x128xf32, #tpu.memory_space<hbm>>
      %dma_start3A_47 = tpu.memref_squeeze %dma_start3A_46 : memref<1x640x128xf32, #tpu.memory_space<hbm>> -> memref<640x128xf32, #tpu.memory_space<hbm>>
      %dma_start3A_48 = arith.constant 0 : i32
      %dma_start3A_49 = tpu.memref_slice %arg10[%mul3A_42, %dma_start3A_48] : memref<10240x128xf32, #tpu.memory_space<vmem_shared>> -> memref<640x128xf32, #tpu.memory_space<vmem_shared>>
      tpu.enqueue_dma source(%dma_start3A_49 : memref<640x128xf32, #tpu.memory_space<vmem_shared>>) target(%dma_start3A_47 : memref<640x128xf32, #tpu.memory_space<hbm>>) target_semaphore(%run_scoped3A : memref<!tpu.dma_semaphore, #tpu.memory_space<semaphore_mem>>)
      %dma_wait3A_50 = arith.constant 0 : i32
      %dma_wait3A_51 = tpu.memref_slice %arg5[%arg0, %mul3A_44, %dma_wait3A_50] : memref<2x10240x128xf32, #tpu.memory_space<hbm>> -> memref<1x640x128xf32, #tpu.memory_space<hbm>>
      %dma_wait3A_52 = tpu.memref_squeeze %dma_wait3A_51 : memref<1x640x128xf32, #tpu.memory_space<hbm>> -> memref<640x128xf32, #tpu.memory_space<hbm>>
      %dma_wait3A_53 = arith.constant 0 : i32
      %dma_wait3A_54 = tpu.memref_slice %arg10[%mul3A_42, %dma_wait3A_53] : memref<10240x128xf32, #tpu.memory_space<vmem_shared>> -> memref<640x128xf32, #tpu.memory_space<vmem_shared>>
      tpu.wait_dma2 semaphore(%run_scoped3A : memref<!tpu.dma_semaphore, #tpu.memory_space<semaphore_mem>>) src(%dma_wait3A_54 : memref<640x128xf32, #tpu.memory_space<vmem_shared>>) dst(%dma_wait3A_52 : memref<640x128xf32, #tpu.memory_space<hbm>>)
      tpu.yield
    }) : () -> ()
    return
  }
}

#map = affine_map<(d0, d1) -> (0, 0)>
#map1 = affine_map<(d0, d1) -> (0, 0, 0, 0)>
#map2 = affine_map<(d0, d1) -> (0, 0, 0)>
module attributes {stable_mosaic.version = 14 : i64} {
  func.func @sc_agg(%arg0: i32, %arg1: i32, %arg2: memref<10240x128xf32, #tpu.memory_space<hbm>>, %arg3: memref<32x80x2x128xi32, #tpu.memory_space<hbm>>, %arg4: memref<640x128xf32, #tpu.memory_space<hbm>>, %arg5: memref<2x10240x128xf32, #tpu.memory_space<hbm>>, %arg6: memref<2x128xi32, #tpu.memory_space<vmem>>, %arg7: memref<2x128xi32, #tpu.memory_space<vmem>>, %arg8: memref<128x128xf32, #tpu.memory_space<vmem>>, %arg9: memref<128x128xf32, #tpu.memory_space<vmem>>, %arg10: memref<10240x128xf32, #tpu.memory_space<vmem_shared>>, %arg11: memref<!tpu.dma_semaphore, #tpu.memory_space<semaphore_mem>>, %arg12: memref<!tpu.dma_semaphore, #tpu.memory_space<semaphore_mem>>, %arg13: memref<!tpu.dma_semaphore, #tpu.memory_space<semaphore_mem>>, %arg14: memref<!tpu.dma_semaphore, #tpu.memory_space<semaphore_mem>>) attributes {dimension_semantics = [#tpu.dimension_semantics<core_parallel>, #tpu.dimension_semantics<subcore_parallel>], iteration_bounds = array<i64: 2, 16>, scalar_prefetch = 0 : i64, scratch_operands = 9 : i64, tpu.core_type = #tpu.core_type<sc_vector_subcore>, window_params = [{transform_indices = #map}, {transform_indices = #map1}, {transform_indices = #map}, {transform_indices = #map2}]} {
    %mul3A = arith.constant 16 : i32
    %mul3A_0 = arith.muli %arg0, %mul3A : i32
    %add3A = arith.addi %mul3A_0, %arg1 : i32
    %mul3A_1 = arith.constant 640 : i32
    %mul3A_2 = arith.muli %arg1, %mul3A_1 : i32
    "tpu.region"() ({
      %run_scoped3A = tpu.sem_alloc : memref<!tpu.dma_semaphore, #tpu.memory_space<semaphore_mem>>
      %dma_start3A_45 = arith.constant 0 : i32
      %dma_start3A_46 = tpu.memref_slice %arg10[%mul3A_2, %dma_start3A_45] : memref<10240x128xf32, #tpu.memory_space<vmem_shared>> -> memref<640x128xf32, #tpu.memory_space<vmem_shared>>
      tpu.enqueue_dma source(%arg4 : memref<640x128xf32, #tpu.memory_space<hbm>>) target(%dma_start3A_46 : memref<640x128xf32, #tpu.memory_space<vmem_shared>>) target_semaphore(%run_scoped3A : memref<!tpu.dma_semaphore, #tpu.memory_space<semaphore_mem>>)
      %dma_wait3A_47 = arith.constant 0 : i32
      %dma_wait3A_48 = tpu.memref_slice %arg10[%mul3A_2, %dma_wait3A_47] : memref<10240x128xf32, #tpu.memory_space<vmem_shared>> -> memref<640x128xf32, #tpu.memory_space<vmem_shared>>
      tpu.wait_dma2 semaphore(%run_scoped3A : memref<!tpu.dma_semaphore, #tpu.memory_space<semaphore_mem>>) src(%arg4 : memref<640x128xf32, #tpu.memory_space<hbm>>) dst(%dma_wait3A_48 : memref<640x128xf32, #tpu.memory_space<vmem_shared>>)
      tpu.yield
    }) : () -> ()
    %barrier3A = arith.constant 0 : index
    tpu.barrier barrier_id(%barrier3A)
    %dma_start3A = arith.constant 0 : i32
    %dma_start3A_3 = arith.constant 0 : i32
    %dma_start3A_4 = arith.constant 0 : i32
    %dma_start3A_5 = tpu.memref_slice %arg3[%add3A, %dma_start3A, %dma_start3A_3, %dma_start3A_4] : memref<32x80x2x128xi32, #tpu.memory_space<hbm>> -> memref<1x1x2x128xi32, #tpu.memory_space<hbm>>
    %dma_start3A_6 = tpu.memref_squeeze %dma_start3A_5 : memref<1x1x2x128xi32, #tpu.memory_space<hbm>> -> memref<2x128xi32, #tpu.memory_space<hbm>>
    %dma_start3A_7 = arith.constant 0 : i32
    %dma_start3A_8 = arith.constant 0 : i32
    %dma_start3A_9 = tpu.memref_slice %arg3[%add3A, %dma_start3A, %dma_start3A_7, %dma_start3A_8] : memref<32x80x2x128xi32, #tpu.memory_space<hbm>> -> memref<1x1x2x128xi32, #tpu.memory_space<hbm>>
    %dma_start3A_10 = tpu.memref_squeeze %dma_start3A_9 : memref<1x1x2x128xi32, #tpu.memory_space<hbm>> -> memref<2x128xi32, #tpu.memory_space<hbm>>
    tpu.enqueue_dma source(%dma_start3A_10 : memref<2x128xi32, #tpu.memory_space<hbm>>) target(%arg6 : memref<2x128xi32, #tpu.memory_space<vmem>>) target_semaphore(%arg13 : memref<!tpu.dma_semaphore, #tpu.memory_space<semaphore_mem>>)
    %dma_start3A_11 = arith.constant 1 : i32
    %dma_start3A_12 = arith.constant 0 : i32
    %dma_start3A_13 = arith.constant 0 : i32
    %dma_start3A_14 = tpu.memref_slice %arg3[%add3A, %dma_start3A_11, %dma_start3A_12, %dma_start3A_13] : memref<32x80x2x128xi32, #tpu.memory_space<hbm>> -> memref<1x1x2x128xi32, #tpu.memory_space<hbm>>
    %dma_start3A_15 = tpu.memref_squeeze %dma_start3A_14 : memref<1x1x2x128xi32, #tpu.memory_space<hbm>> -> memref<2x128xi32, #tpu.memory_space<hbm>>
    %dma_start3A_16 = arith.constant 0 : i32
    %dma_start3A_17 = arith.constant 0 : i32
    %dma_start3A_18 = tpu.memref_slice %arg3[%add3A, %dma_start3A_11, %dma_start3A_16, %dma_start3A_17] : memref<32x80x2x128xi32, #tpu.memory_space<hbm>> -> memref<1x1x2x128xi32, #tpu.memory_space<hbm>>
    %dma_start3A_19 = tpu.memref_squeeze %dma_start3A_18 : memref<1x1x2x128xi32, #tpu.memory_space<hbm>> -> memref<2x128xi32, #tpu.memory_space<hbm>>
    tpu.enqueue_dma source(%dma_start3A_19 : memref<2x128xi32, #tpu.memory_space<hbm>>) target(%arg7 : memref<2x128xi32, #tpu.memory_space<vmem>>) target_semaphore(%arg14 : memref<!tpu.dma_semaphore, #tpu.memory_space<semaphore_mem>>)
    %dma_wait3A = arith.constant 0 : i32
    %dma_wait3A_20 = arith.constant 0 : i32
    %dma_wait3A_21 = arith.constant 0 : i32
    %dma_wait3A_22 = tpu.memref_slice %arg3[%add3A, %dma_wait3A, %dma_wait3A_20, %dma_wait3A_21] : memref<32x80x2x128xi32, #tpu.memory_space<hbm>> -> memref<1x1x2x128xi32, #tpu.memory_space<hbm>>
    %dma_wait3A_23 = tpu.memref_squeeze %dma_wait3A_22 : memref<1x1x2x128xi32, #tpu.memory_space<hbm>> -> memref<2x128xi32, #tpu.memory_space<hbm>>
    %dma_wait3A_24 = arith.constant 0 : i32
    %dma_wait3A_25 = arith.constant 0 : i32
    %dma_wait3A_26 = tpu.memref_slice %arg3[%add3A, %dma_wait3A, %dma_wait3A_24, %dma_wait3A_25] : memref<32x80x2x128xi32, #tpu.memory_space<hbm>> -> memref<1x1x2x128xi32, #tpu.memory_space<hbm>>
    %dma_wait3A_27 = tpu.memref_squeeze %dma_wait3A_26 : memref<1x1x2x128xi32, #tpu.memory_space<hbm>> -> memref<2x128xi32, #tpu.memory_space<hbm>>
    tpu.wait_dma2 semaphore(%arg13 : memref<!tpu.dma_semaphore, #tpu.memory_space<semaphore_mem>>) src(%dma_wait3A_27 : memref<2x128xi32, #tpu.memory_space<hbm>>) dst(%arg6 : memref<2x128xi32, #tpu.memory_space<vmem>>)
    %dma_start3A_28 = arith.constant 0 : i32
    %dma_start3A_29 = arith.constant 0 : i32
    %dma_start3A_30 = tpu.memref_slice %arg6[%dma_start3A_28, %dma_start3A_29] : memref<2x128xi32, #tpu.memory_space<vmem>> -> memref<1x128xi32, #tpu.memory_space<vmem>>
    %dma_start3A_31 = tpu.memref_squeeze %dma_start3A_30 : memref<1x128xi32, #tpu.memory_space<vmem>> -> memref<128xi32, #tpu.memory_space<vmem>>
    %dma_start3A_32 = arith.constant 0 : i32
    %dma_start3A_33 = arith.constant 0 : i32
    %dma_start3A_34 = tpu.memref_slice %arg2[%dma_start3A_32, %dma_start3A_33] : memref<10240x128xf32, #tpu.memory_space<hbm>> -> memref<10240x128xf32, #tpu.memory_space<hbm>>
    tpu.enqueue_indirect_dma source(%dma_start3A_34 : memref<10240x128xf32, #tpu.memory_space<hbm>>) target(%arg8 : memref<128x128xf32, #tpu.memory_space<vmem>>) offsets(%dma_start3A_31 : memref<128xi32, #tpu.memory_space<vmem>>) semaphore(%arg11 : memref<!tpu.dma_semaphore, #tpu.memory_space<semaphore_mem>>)
    %scan3A = arith.constant 0 : i32
    %scan3A_35 = arith.constant 0 : i32
    %scan3A_36 = arith.constant 40 : i32
    %scan3A_37 = arith.addi %scan3A_35, %scan3A_36 : i32
    %scan3A_38 = arith.constant 1 : i32
    scf.for %scan3A_45 = %scan3A_35 to %scan3A_37 step %scan3A_38  : i32 {
      %mul3A_46 = arith.constant 2 : i32
      %mul3A_47 = arith.muli %mul3A_46, %scan3A_45 : i32
      %add3A_48 = arith.constant 0 : i32
      %add3A_49 = arith.addi %mul3A_47, %add3A_48 : i32
      %dma_wait3A_50 = arith.constant 0 : i32
      %dma_wait3A_51 = arith.constant 0 : i32
      %dma_wait3A_52 = tpu.memref_slice %arg6[%dma_wait3A_50, %dma_wait3A_51] : memref<2x128xi32, #tpu.memory_space<vmem>> -> memref<1x128xi32, #tpu.memory_space<vmem>>
      %dma_wait3A_53 = tpu.memref_squeeze %dma_wait3A_52 : memref<1x128xi32, #tpu.memory_space<vmem>> -> memref<128xi32, #tpu.memory_space<vmem>>
      %dma_wait3A_54 = arith.constant 0 : i32
      %dma_wait3A_55 = arith.constant 0 : i32
      %dma_wait3A_56 = tpu.memref_slice %arg2[%dma_wait3A_54, %dma_wait3A_55] : memref<10240x128xf32, #tpu.memory_space<hbm>> -> memref<10240x128xf32, #tpu.memory_space<hbm>>
      tpu.wait_indirect_dma semaphore(%arg11 : memref<!tpu.dma_semaphore, #tpu.memory_space<semaphore_mem>>) src(%dma_wait3A_56 : memref<10240x128xf32, #tpu.memory_space<hbm>>) dst(%arg8 : memref<128x128xf32, #tpu.memory_space<vmem>>)
      %add3A_57 = arith.constant 2 : i32
      %add3A_58 = arith.addi %add3A_49, %add3A_57 : i32
      %sub3A = arith.constant 1 : i32
      %sub3A_59 = arith.subi %add3A_58, %sub3A : i32
      %lt3A = arith.constant 80 : i32
      %lt3A_60 = arith.cmpi slt, %sub3A_59, %lt3A : i32
      %convert_element_type3A = arith.extui %lt3A_60 : i1 to i32
      %cond3A = arith.constant 0 : i32
      %cond3A_61 = arith.cmpi ne, %convert_element_type3A, %cond3A : i32
      scf.if %cond3A_61 {
        %add3A_97 = arith.constant 2 : i32
        %add3A_98 = arith.addi %add3A_49, %add3A_97 : i32
        %sub3A_99 = arith.constant 1 : i32
        %sub3A_100 = arith.subi %add3A_98, %sub3A_99 : i32
        %dma_wait3A_101 = arith.constant 0 : i32
        %dma_wait3A_102 = arith.constant 0 : i32
        %dma_wait3A_103 = tpu.memref_slice %arg3[%add3A, %sub3A_100, %dma_wait3A_101, %dma_wait3A_102] : memref<32x80x2x128xi32, #tpu.memory_space<hbm>> -> memref<1x1x2x128xi32, #tpu.memory_space<hbm>>
        %dma_wait3A_104 = tpu.memref_squeeze %dma_wait3A_103 : memref<1x1x2x128xi32, #tpu.memory_space<hbm>> -> memref<2x128xi32, #tpu.memory_space<hbm>>
        %dma_wait3A_105 = arith.constant 0 : i32
        %dma_wait3A_106 = arith.constant 0 : i32
        %dma_wait3A_107 = tpu.memref_slice %arg3[%add3A, %sub3A_100, %dma_wait3A_105, %dma_wait3A_106] : memref<32x80x2x128xi32, #tpu.memory_space<hbm>> -> memref<1x1x2x128xi32, #tpu.memory_space<hbm>>
        %dma_wait3A_108 = tpu.memref_squeeze %dma_wait3A_107 : memref<1x1x2x128xi32, #tpu.memory_space<hbm>> -> memref<2x128xi32, #tpu.memory_space<hbm>>
        tpu.wait_dma2 semaphore(%arg14 : memref<!tpu.dma_semaphore, #tpu.memory_space<semaphore_mem>>) src(%dma_wait3A_108 : memref<2x128xi32, #tpu.memory_space<hbm>>) dst(%arg7 : memref<2x128xi32, #tpu.memory_space<vmem>>)
        %dma_start3A_109 = arith.constant 0 : i32
        %dma_start3A_110 = arith.constant 0 : i32
        %dma_start3A_111 = tpu.memref_slice %arg7[%dma_start3A_109, %dma_start3A_110] : memref<2x128xi32, #tpu.memory_space<vmem>> -> memref<1x128xi32, #tpu.memory_space<vmem>>
        %dma_start3A_112 = tpu.memref_squeeze %dma_start3A_111 : memref<1x128xi32, #tpu.memory_space<vmem>> -> memref<128xi32, #tpu.memory_space<vmem>>
        %dma_start3A_113 = arith.constant 0 : i32
        %dma_start3A_114 = arith.constant 0 : i32
        %dma_start3A_115 = tpu.memref_slice %arg2[%dma_start3A_113, %dma_start3A_114] : memref<10240x128xf32, #tpu.memory_space<hbm>> -> memref<10240x128xf32, #tpu.memory_space<hbm>>
        tpu.enqueue_indirect_dma source(%dma_start3A_115 : memref<10240x128xf32, #tpu.memory_space<hbm>>) target(%arg9 : memref<128x128xf32, #tpu.memory_space<vmem>>) offsets(%dma_start3A_112 : memref<128xi32, #tpu.memory_space<vmem>>) semaphore(%arg12 : memref<!tpu.dma_semaphore, #tpu.memory_space<semaphore_mem>>)
      } else {
      }
      %run_scoped3A = arith.constant 1 : i32
      "tpu.region"() ({
        %run_scoped3A_97 = tpu.sem_alloc : memref<!tpu.dma_semaphore, #tpu.memory_space<semaphore_mem>>
        %dma_start3A_98 = arith.constant 0 : i32
        %dma_start3A_99 = tpu.memref_slice %arg6[%run_scoped3A, %dma_start3A_98] : memref<2x128xi32, #tpu.memory_space<vmem>> -> memref<1x128xi32, #tpu.memory_space<vmem>>
        %dma_start3A_100 = tpu.memref_squeeze %dma_start3A_99 : memref<1x128xi32, #tpu.memory_space<vmem>> -> memref<128xi32, #tpu.memory_space<vmem>>
        %dma_start3A_101 = arith.constant 0 : i32
        %dma_start3A_102 = arith.constant 0 : i32
        %dma_start3A_103 = tpu.memref_slice %arg10[%dma_start3A_101, %dma_start3A_102] : memref<10240x128xf32, #tpu.memory_space<vmem_shared>> -> memref<10240x128xf32, #tpu.memory_space<vmem_shared>>
        tpu.enqueue_indirect_dma source(%arg8 : memref<128x128xf32, #tpu.memory_space<vmem>>) target(%dma_start3A_103 : memref<10240x128xf32, #tpu.memory_space<vmem_shared>>) offsets(%dma_start3A_100 : memref<128xi32, #tpu.memory_space<vmem>>) semaphore(%run_scoped3A_97 : memref<!tpu.dma_semaphore, #tpu.memory_space<semaphore_mem>>) {add = true}
        %dma_wait3A_104 = arith.constant 0 : i32
        %dma_wait3A_105 = tpu.memref_slice %arg6[%run_scoped3A, %dma_wait3A_104] : memref<2x128xi32, #tpu.memory_space<vmem>> -> memref<1x128xi32, #tpu.memory_space<vmem>>
        %dma_wait3A_106 = tpu.memref_squeeze %dma_wait3A_105 : memref<1x128xi32, #tpu.memory_space<vmem>> -> memref<128xi32, #tpu.memory_space<vmem>>
        %dma_wait3A_107 = arith.constant 0 : i32
        %dma_wait3A_108 = arith.constant 0 : i32
        %dma_wait3A_109 = tpu.memref_slice %arg10[%dma_wait3A_107, %dma_wait3A_108] : memref<10240x128xf32, #tpu.memory_space<vmem_shared>> -> memref<10240x128xf32, #tpu.memory_space<vmem_shared>>
        tpu.wait_indirect_dma semaphore(%run_scoped3A_97 : memref<!tpu.dma_semaphore, #tpu.memory_space<semaphore_mem>>) src(%arg8 : memref<128x128xf32, #tpu.memory_space<vmem>>) dst(%dma_wait3A_109 : memref<10240x128xf32, #tpu.memory_space<vmem_shared>>)
        tpu.yield
      }) : () -> ()
      %add3A_62 = arith.constant 2 : i32
      %add3A_63 = arith.addi %add3A_49, %add3A_62 : i32
      %lt3A_64 = arith.constant 80 : i32
      %lt3A_65 = arith.cmpi slt, %add3A_63, %lt3A_64 : i32
      %convert_element_type3A_66 = arith.extui %lt3A_65 : i1 to i32
      %cond3A_67 = arith.constant 0 : i32
      %cond3A_68 = arith.cmpi ne, %convert_element_type3A_66, %cond3A_67 : i32
      scf.if %cond3A_68 {
        %add3A_97 = arith.constant 2 : i32
        %add3A_98 = arith.addi %add3A_49, %add3A_97 : i32
        %dma_start3A_99 = arith.constant 0 : i32
        %dma_start3A_100 = arith.constant 0 : i32
        %dma_start3A_101 = tpu.memref_slice %arg3[%add3A, %add3A_98, %dma_start3A_99, %dma_start3A_100] : memref<32x80x2x128xi32, #tpu.memory_space<hbm>> -> memref<1x1x2x128xi32, #tpu.memory_space<hbm>>
        %dma_start3A_102 = tpu.memref_squeeze %dma_start3A_101 : memref<1x1x2x128xi32, #tpu.memory_space<hbm>> -> memref<2x128xi32, #tpu.memory_space<hbm>>
        %dma_start3A_103 = arith.constant 0 : i32
        %dma_start3A_104 = arith.constant 0 : i32
        %dma_start3A_105 = tpu.memref_slice %arg3[%add3A, %add3A_98, %dma_start3A_103, %dma_start3A_104] : memref<32x80x2x128xi32, #tpu.memory_space<hbm>> -> memref<1x1x2x128xi32, #tpu.memory_space<hbm>>
        %dma_start3A_106 = tpu.memref_squeeze %dma_start3A_105 : memref<1x1x2x128xi32, #tpu.memory_space<hbm>> -> memref<2x128xi32, #tpu.memory_space<hbm>>
        tpu.enqueue_dma source(%dma_start3A_106 : memref<2x128xi32, #tpu.memory_space<hbm>>) target(%arg6 : memref<2x128xi32, #tpu.memory_space<vmem>>) target_semaphore(%arg13 : memref<!tpu.dma_semaphore, #tpu.memory_space<semaphore_mem>>)
      } else {
      }
      %mul3A_69 = arith.constant 2 : i32
      %mul3A_70 = arith.muli %mul3A_69, %scan3A_45 : i32
      %add3A_71 = arith.constant 1 : i32
      %add3A_72 = arith.addi %mul3A_70, %add3A_71 : i32
      %dma_wait3A_73 = arith.constant 0 : i32
      %dma_wait3A_74 = arith.constant 0 : i32
      %dma_wait3A_75 = tpu.memref_slice %arg7[%dma_wait3A_73, %dma_wait3A_74] : memref<2x128xi32, #tpu.memory_space<vmem>> -> memref<1x128xi32, #tpu.memory_space<vmem>>
      %dma_wait3A_76 = tpu.memref_squeeze %dma_wait3A_75 : memref<1x128xi32, #tpu.memory_space<vmem>> -> memref<128xi32, #tpu.memory_space<vmem>>
      %dma_wait3A_77 = arith.constant 0 : i32
      %dma_wait3A_78 = arith.constant 0 : i32
      %dma_wait3A_79 = tpu.memref_slice %arg2[%dma_wait3A_77, %dma_wait3A_78] : memref<10240x128xf32, #tpu.memory_space<hbm>> -> memref<10240x128xf32, #tpu.memory_space<hbm>>
      tpu.wait_indirect_dma semaphore(%arg12 : memref<!tpu.dma_semaphore, #tpu.memory_space<semaphore_mem>>) src(%dma_wait3A_79 : memref<10240x128xf32, #tpu.memory_space<hbm>>) dst(%arg9 : memref<128x128xf32, #tpu.memory_space<vmem>>)
      %add3A_80 = arith.constant 2 : i32
      %add3A_81 = arith.addi %add3A_72, %add3A_80 : i32
      %sub3A_82 = arith.constant 1 : i32
      %sub3A_83 = arith.subi %add3A_81, %sub3A_82 : i32
      %lt3A_84 = arith.constant 80 : i32
      %lt3A_85 = arith.cmpi slt, %sub3A_83, %lt3A_84 : i32
      %convert_element_type3A_86 = arith.extui %lt3A_85 : i1 to i32
      %cond3A_87 = arith.constant 0 : i32
      %cond3A_88 = arith.cmpi ne, %convert_element_type3A_86, %cond3A_87 : i32
      scf.if %cond3A_88 {
        %add3A_97 = arith.constant 2 : i32
        %add3A_98 = arith.addi %add3A_72, %add3A_97 : i32
        %sub3A_99 = arith.constant 1 : i32
        %sub3A_100 = arith.subi %add3A_98, %sub3A_99 : i32
        %dma_wait3A_101 = arith.constant 0 : i32
        %dma_wait3A_102 = arith.constant 0 : i32
        %dma_wait3A_103 = tpu.memref_slice %arg3[%add3A, %sub3A_100, %dma_wait3A_101, %dma_wait3A_102] : memref<32x80x2x128xi32, #tpu.memory_space<hbm>> -> memref<1x1x2x128xi32, #tpu.memory_space<hbm>>
        %dma_wait3A_104 = tpu.memref_squeeze %dma_wait3A_103 : memref<1x1x2x128xi32, #tpu.memory_space<hbm>> -> memref<2x128xi32, #tpu.memory_space<hbm>>
        %dma_wait3A_105 = arith.constant 0 : i32
        %dma_wait3A_106 = arith.constant 0 : i32
        %dma_wait3A_107 = tpu.memref_slice %arg3[%add3A, %sub3A_100, %dma_wait3A_105, %dma_wait3A_106] : memref<32x80x2x128xi32, #tpu.memory_space<hbm>> -> memref<1x1x2x128xi32, #tpu.memory_space<hbm>>
        %dma_wait3A_108 = tpu.memref_squeeze %dma_wait3A_107 : memref<1x1x2x128xi32, #tpu.memory_space<hbm>> -> memref<2x128xi32, #tpu.memory_space<hbm>>
        tpu.wait_dma2 semaphore(%arg13 : memref<!tpu.dma_semaphore, #tpu.memory_space<semaphore_mem>>) src(%dma_wait3A_108 : memref<2x128xi32, #tpu.memory_space<hbm>>) dst(%arg6 : memref<2x128xi32, #tpu.memory_space<vmem>>)
        %dma_start3A_109 = arith.constant 0 : i32
        %dma_start3A_110 = arith.constant 0 : i32
        %dma_start3A_111 = tpu.memref_slice %arg6[%dma_start3A_109, %dma_start3A_110] : memref<2x128xi32, #tpu.memory_space<vmem>> -> memref<1x128xi32, #tpu.memory_space<vmem>>
        %dma_start3A_112 = tpu.memref_squeeze %dma_start3A_111 : memref<1x128xi32, #tpu.memory_space<vmem>> -> memref<128xi32, #tpu.memory_space<vmem>>
        %dma_start3A_113 = arith.constant 0 : i32
        %dma_start3A_114 = arith.constant 0 : i32
        %dma_start3A_115 = tpu.memref_slice %arg2[%dma_start3A_113, %dma_start3A_114] : memref<10240x128xf32, #tpu.memory_space<hbm>> -> memref<10240x128xf32, #tpu.memory_space<hbm>>
        tpu.enqueue_indirect_dma source(%dma_start3A_115 : memref<10240x128xf32, #tpu.memory_space<hbm>>) target(%arg8 : memref<128x128xf32, #tpu.memory_space<vmem>>) offsets(%dma_start3A_112 : memref<128xi32, #tpu.memory_space<vmem>>) semaphore(%arg11 : memref<!tpu.dma_semaphore, #tpu.memory_space<semaphore_mem>>)
      } else {
      }
      %run_scoped3A_89 = arith.constant 1 : i32
      "tpu.region"() ({
        %run_scoped3A_97 = tpu.sem_alloc : memref<!tpu.dma_semaphore, #tpu.memory_space<semaphore_mem>>
        %dma_start3A_98 = arith.constant 0 : i32
        %dma_start3A_99 = tpu.memref_slice %arg7[%run_scoped3A_89, %dma_start3A_98] : memref<2x128xi32, #tpu.memory_space<vmem>> -> memref<1x128xi32, #tpu.memory_space<vmem>>
        %dma_start3A_100 = tpu.memref_squeeze %dma_start3A_99 : memref<1x128xi32, #tpu.memory_space<vmem>> -> memref<128xi32, #tpu.memory_space<vmem>>
        %dma_start3A_101 = arith.constant 0 : i32
        %dma_start3A_102 = arith.constant 0 : i32
        %dma_start3A_103 = tpu.memref_slice %arg10[%dma_start3A_101, %dma_start3A_102] : memref<10240x128xf32, #tpu.memory_space<vmem_shared>> -> memref<10240x128xf32, #tpu.memory_space<vmem_shared>>
        tpu.enqueue_indirect_dma source(%arg9 : memref<128x128xf32, #tpu.memory_space<vmem>>) target(%dma_start3A_103 : memref<10240x128xf32, #tpu.memory_space<vmem_shared>>) offsets(%dma_start3A_100 : memref<128xi32, #tpu.memory_space<vmem>>) semaphore(%run_scoped3A_97 : memref<!tpu.dma_semaphore, #tpu.memory_space<semaphore_mem>>) {add = true}
        %dma_wait3A_104 = arith.constant 0 : i32
        %dma_wait3A_105 = tpu.memref_slice %arg7[%run_scoped3A_89, %dma_wait3A_104] : memref<2x128xi32, #tpu.memory_space<vmem>> -> memref<1x128xi32, #tpu.memory_space<vmem>>
        %dma_wait3A_106 = tpu.memref_squeeze %dma_wait3A_105 : memref<1x128xi32, #tpu.memory_space<vmem>> -> memref<128xi32, #tpu.memory_space<vmem>>
        %dma_wait3A_107 = arith.constant 0 : i32
        %dma_wait3A_108 = arith.constant 0 : i32
        %dma_wait3A_109 = tpu.memref_slice %arg10[%dma_wait3A_107, %dma_wait3A_108] : memref<10240x128xf32, #tpu.memory_space<vmem_shared>> -> memref<10240x128xf32, #tpu.memory_space<vmem_shared>>
        tpu.wait_indirect_dma semaphore(%run_scoped3A_97 : memref<!tpu.dma_semaphore, #tpu.memory_space<semaphore_mem>>) src(%arg9 : memref<128x128xf32, #tpu.memory_space<vmem>>) dst(%dma_wait3A_109 : memref<10240x128xf32, #tpu.memory_space<vmem_shared>>)
        tpu.yield
      }) : () -> ()
      %add3A_90 = arith.constant 2 : i32
      %add3A_91 = arith.addi %add3A_72, %add3A_90 : i32
      %lt3A_92 = arith.constant 80 : i32
      %lt3A_93 = arith.cmpi slt, %add3A_91, %lt3A_92 : i32
      %convert_element_type3A_94 = arith.extui %lt3A_93 : i1 to i32
      %cond3A_95 = arith.constant 0 : i32
      %cond3A_96 = arith.cmpi ne, %convert_element_type3A_94, %cond3A_95 : i32
      scf.if %cond3A_96 {
        %add3A_97 = arith.constant 2 : i32
        %add3A_98 = arith.addi %add3A_72, %add3A_97 : i32
        %dma_start3A_99 = arith.constant 0 : i32
        %dma_start3A_100 = arith.constant 0 : i32
        %dma_start3A_101 = tpu.memref_slice %arg3[%add3A, %add3A_98, %dma_start3A_99, %dma_start3A_100] : memref<32x80x2x128xi32, #tpu.memory_space<hbm>> -> memref<1x1x2x128xi32, #tpu.memory_space<hbm>>
        %dma_start3A_102 = tpu.memref_squeeze %dma_start3A_101 : memref<1x1x2x128xi32, #tpu.memory_space<hbm>> -> memref<2x128xi32, #tpu.memory_space<hbm>>
        %dma_start3A_103 = arith.constant 0 : i32
        %dma_start3A_104 = arith.constant 0 : i32
        %dma_start3A_105 = tpu.memref_slice %arg3[%add3A, %add3A_98, %dma_start3A_103, %dma_start3A_104] : memref<32x80x2x128xi32, #tpu.memory_space<hbm>> -> memref<1x1x2x128xi32, #tpu.memory_space<hbm>>
        %dma_start3A_106 = tpu.memref_squeeze %dma_start3A_105 : memref<1x1x2x128xi32, #tpu.memory_space<hbm>> -> memref<2x128xi32, #tpu.memory_space<hbm>>
        tpu.enqueue_dma source(%dma_start3A_106 : memref<2x128xi32, #tpu.memory_space<hbm>>) target(%arg7 : memref<2x128xi32, #tpu.memory_space<vmem>>) target_semaphore(%arg14 : memref<!tpu.dma_semaphore, #tpu.memory_space<semaphore_mem>>)
      } else {
      }
    }
    %scan3A_39 = arith.constant 40 : i32
    %barrier3A_40 = arith.constant 0 : index
    tpu.barrier barrier_id(%barrier3A_40)
    %mul3A_41 = arith.constant 640 : i32
    %mul3A_42 = arith.muli %arg1, %mul3A_41 : i32
    %mul3A_43 = arith.constant 640 : i32
    %mul3A_44 = arith.muli %arg1, %mul3A_43 : i32
    "tpu.region"() ({
      %run_scoped3A = tpu.sem_alloc : memref<!tpu.dma_semaphore, #tpu.memory_space<semaphore_mem>>
      %dma_start3A_45 = arith.constant 0 : i32
      %dma_start3A_46 = tpu.memref_slice %arg5[%arg0, %mul3A_44, %dma_start3A_45] : memref<2x10240x128xf32, #tpu.memory_space<hbm>> -> memref<1x640x128xf32, #tpu.memory_space<hbm>>
      %dma_start3A_47 = tpu.memref_squeeze %dma_start3A_46 : memref<1x640x128xf32, #tpu.memory_space<hbm>> -> memref<640x128xf32, #tpu.memory_space<hbm>>
      %dma_start3A_48 = arith.constant 0 : i32
      %dma_start3A_49 = tpu.memref_slice %arg10[%mul3A_42, %dma_start3A_48] : memref<10240x128xf32, #tpu.memory_space<vmem_shared>> -> memref<640x128xf32, #tpu.memory_space<vmem_shared>>
      tpu.enqueue_dma source(%dma_start3A_49 : memref<640x128xf32, #tpu.memory_space<vmem_shared>>) target(%dma_start3A_47 : memref<640x128xf32, #tpu.memory_space<hbm>>) target_semaphore(%run_scoped3A : memref<!tpu.dma_semaphore, #tpu.memory_space<semaphore_mem>>)
      %dma_wait3A_50 = arith.constant 0 : i32
      %dma_wait3A_51 = tpu.memref_slice %arg5[%arg0, %mul3A_44, %dma_wait3A_50] : memref<2x10240x128xf32, #tpu.memory_space<hbm>> -> memref<1x640x128xf32, #tpu.memory_space<hbm>>
      %dma_wait3A_52 = tpu.memref_squeeze %dma_wait3A_51 : memref<1x640x128xf32, #tpu.memory_space<hbm>> -> memref<640x128xf32, #tpu.memory_space<hbm>>
      %dma_wait3A_53 = arith.constant 0 : i32
      %dma_wait3A_54 = tpu.memref_slice %arg10[%mul3A_42, %dma_wait3A_53] : memref<10240x128xf32, #tpu.memory_space<vmem_shared>> -> memref<640x128xf32, #tpu.memory_space<vmem_shared>>
      tpu.wait_dma2 semaphore(%run_scoped3A : memref<!tpu.dma_semaphore, #tpu.memory_space<semaphore_mem>>) src(%dma_wait3A_54 : memref<640x128xf32, #tpu.memory_space<vmem_shared>>) dst(%dma_wait3A_52 : memref<640x128xf32, #tpu.memory_space<hbm>>)
      tpu.yield
    }) : () -> ()
    return
  }
}

module attributes {stable_mosaic.version = 14 : i64} {
  func.func @_vcat0_body(%arg0: i32, %arg1: memref<1024x128xf32, #tpu.memory_space<vmem>>, %arg2: memref<1024x32xf32, #tpu.memory_space<vmem>>, %arg3: memref<32x128xf32, #tpu.memory_space<vmem>>) attributes {dimension_semantics = [#tpu.dimension_semantics<arbitrary>], iteration_bounds = array<i64: 10>, scalar_prefetch = 0 : i64, scratch_operands = 0 : i64, tpu.core_type = #tpu.core_type<tc>, window_params = [{transform_indices = @transform_0, window_bounds = array<i64: 1024, 128>}, {transform_indices = @transform_1, window_bounds = array<i64: 1024, 32>}, {pipeline_mode = #tpu.pipeline_mode<synchronous>, transform_indices = @transform_2, window_bounds = array<i64: 32, 128>}]} {
    %eq3A = arith.constant 0 : i32
    %eq3A_0 = arith.cmpi eq, %arg0, %eq3A : i32
    %convert_element_type3A = arith.extui %eq3A_0 : i1 to i32
    %cond3A = arith.constant 0 : i32
    %cond3A_1 = arith.cmpi ne, %convert_element_type3A, %cond3A : i32
    scf.if %cond3A_1 {
      %broadcast_in_dim3A = arith.constant 0.000000e+00 : f32
      %broadcast_in_dim3A_13 = vector.broadcast %broadcast_in_dim3A : f32 to vector<32x128xf32>
      %swap3A_14 = arith.constant 0 : index
      %swap3A_15 = arith.constant 0 : index
      %swap3A_16 = vector.load %arg3[%swap3A_14, %swap3A_15] : memref<32x128xf32, #tpu.memory_space<vmem>>, vector<32x128xf32>
      tpu.vector_store %arg3[%swap3A_14, %swap3A_15], %broadcast_in_dim3A_13 {strides = array<i32>} : memref<32x128xf32, #tpu.memory_space<vmem>>, vector<32x128xf32>,
    } else {
    }
    %get3A = arith.constant 0 : index
    %get3A_2 = arith.constant 0 : index
    %get3A_3 = vector.load %arg3[%get3A, %get3A_2] : memref<32x128xf32, #tpu.memory_space<vmem>>, vector<32x128xf32>
    %get3A_4 = arith.constant 0 : index
    %get3A_5 = arith.constant 0 : index
    %get3A_6 = vector.load %arg2[%get3A_4, %get3A_5] : memref<1024x32xf32, #tpu.memory_space<vmem>>, vector<1024x32xf32>
    %get3A_7 = arith.constant 0 : index
    %get3A_8 = arith.constant 0 : index
    %get3A_9 = vector.load %arg1[%get3A_7, %get3A_8] : memref<1024x128xf32, #tpu.memory_space<vmem>>, vector<1024x128xf32>
    %dot_general3A = arith.constant dense<0.000000e+00> : vector<32x128xf32>
    %dot_general3A_10 = tpu.matmul %get3A_6, %get3A_9, %dot_general3A {dimension_numbers = #tpu.dot_dimension_numbers<[0], [0], [1], [1], [0, 1, 1, 1], [], []>, transpose_lhs_hint = false} : vector<1024x32xf32>, vector<1024x128xf32>, vector<32x128xf32> -> vector<32x128xf32>
    %add3A = arith.addf %get3A_3, %dot_general3A_10 : vector<32x128xf32>
    %swap3A = arith.constant 0 : index
    %swap3A_11 = arith.constant 0 : index
    %swap3A_12 = vector.load %arg3[%swap3A, %swap3A_11] : memref<32x128xf32, #tpu.memory_space<vmem>>, vector<32x128xf32>
    tpu.vector_store %arg3[%swap3A, %swap3A_11], %add3A {strides = array<i32>} : memref<32x128xf32, #tpu.memory_space<vmem>>, vector<32x128xf32>,
    return
  }
  func.func @transform_0(%arg0: i32) -> (i32, i32) {
    %c0_i32 = arith.constant 0 : i32
    %c0_i32_0 = arith.constant 0 : i32
    return %arg0, %c0_i32 : i32, i32
  }
  func.func @transform_1(%arg0: i32) -> (i32, i32) {
    %c0_i32 = arith.constant 0 : i32
    %c0_i32_0 = arith.constant 0 : i32
    return %arg0, %c0_i32 : i32, i32
  }
  func.func @transform_2(%arg0: i32) -> (i32, i32) {
    %c0_i32 = arith.constant 0 : i32
    %c0_i32_0 = arith.constant 0 : i32
    %c0_i32_1 = arith.constant 0 : i32
    return %c0_i32, %c0_i32_0 : i32, i32
  }
}

module attributes {stable_mosaic.version = 14 : i64} {
  func.func @_mlp_body(%arg0: i32, %arg1: memref<1024x128xf32, #tpu.memory_space<vmem>>, %arg2: memref<2x1024x128xf32, #tpu.memory_space<vmem>>, %arg3: memref<1024x32xf32, #tpu.memory_space<vmem>>, %arg4: memref<1024x32xf32, #tpu.memory_space<vmem>>, %arg5: memref<32x128xf32, #tpu.memory_space<vmem>>, %arg6: memref<128x128xf32, #tpu.memory_space<vmem>>, %arg7: memref<1x128xf32, #tpu.memory_space<vmem>>, %arg8: memref<128x128xf32, #tpu.memory_space<vmem>>, %arg9: memref<1x128xf32, #tpu.memory_space<vmem>>, %arg10: memref<1024x128xf32, #tpu.memory_space<vmem>>, %arg11: memref<32x128xf32, #tpu.memory_space<vmem>>) attributes {dimension_semantics = [#tpu.dimension_semantics<arbitrary>], iteration_bounds = array<i64: 10>, scalar_prefetch = 0 : i64, scratch_operands = 0 : i64, tpu.core_type = #tpu.core_type<tc>, window_params = [{transform_indices = @transform_0, window_bounds = array<i64: 1024, 128>}, {transform_indices = @transform_1, window_bounds = array<i64: 2, 1024, 128>}, {transform_indices = @transform_2, window_bounds = array<i64: 1024, 32>}, {transform_indices = @transform_3, window_bounds = array<i64: 1024, 32>}, {pipeline_mode = #tpu.pipeline_mode<synchronous>, transform_indices = @transform_4, window_bounds = array<i64: 32, 128>}, {pipeline_mode = #tpu.pipeline_mode<synchronous>, transform_indices = @transform_5, window_bounds = array<i64: 128, 128>}, {pipeline_mode = #tpu.pipeline_mode<synchronous>, transform_indices = @transform_6, window_bounds = array<i64: 1, 128>}, {pipeline_mode = #tpu.pipeline_mode<synchronous>, transform_indices = @transform_7, window_bounds = array<i64: 128, 128>}, {pipeline_mode = #tpu.pipeline_mode<synchronous>, transform_indices = @transform_8, window_bounds = array<i64: 1, 128>}, {transform_indices = @transform_9, window_bounds = array<i64: 1024, 128>}, {pipeline_mode = #tpu.pipeline_mode<synchronous>, transform_indices = @transform_10, window_bounds = array<i64: 32, 128>}]} {
    %get3A = arith.constant 0 : index
    %get3A_0 = arith.constant 0 : index
    %get3A_1 = vector.load %arg1[%get3A, %get3A_0] : memref<1024x128xf32, #tpu.memory_space<vmem>>, vector<1024x128xf32>
    %get3A_2 = arith.constant 0 : index
    %get3A_3 = arith.constant 0 : index
    %get3A_4 = arith.constant 0 : index
    %get3A_5 = vector.load %arg2[%get3A_2, %get3A_3, %get3A_4] : memref<2x1024x128xf32, #tpu.memory_space<vmem>>, vector<1x1024x128xf32>
    %get3A_6 = vector.shape_cast %get3A_5 : vector<1x1024x128xf32> to vector<1024x128xf32>
    %add3A = arith.addf %get3A_1, %get3A_6 : vector<1024x128xf32>
    %get3A_7 = arith.constant 1 : index
    %get3A_8 = arith.constant 0 : index
    %get3A_9 = arith.constant 0 : index
    %get3A_10 = vector.load %arg2[%get3A_7, %get3A_8, %get3A_9] : memref<2x1024x128xf32, #tpu.memory_space<vmem>>, vector<1x1024x128xf32>
    %get3A_11 = vector.shape_cast %get3A_10 : vector<1x1024x128xf32> to vector<1024x128xf32>
    %add3A_12 = arith.addf %add3A, %get3A_11 : vector<1024x128xf32>
    %get3A_13 = arith.constant 0 : index
    %get3A_14 = arith.constant 0 : index
    %get3A_15 = vector.load %arg3[%get3A_13, %get3A_14] : memref<1024x32xf32, #tpu.memory_space<vmem>>, vector<1024x32xf32>
    %get3A_16 = arith.constant 0 : index
    %get3A_17 = arith.constant 0 : index
    %get3A_18 = vector.load %arg5[%get3A_16, %get3A_17] : memref<32x128xf32, #tpu.memory_space<vmem>>, vector<32x128xf32>
    %dot_general3A = arith.constant dense<0.000000e+00> : vector<1024x128xf32>
    %dot_general3A_19 = tpu.matmul %get3A_15, %get3A_18, %dot_general3A {dimension_numbers = #tpu.dot_dimension_numbers<[1], [0], [0], [1], [0, 0, 1, 1], [], []>, transpose_lhs_hint = false} : vector<1024x32xf32>, vector<32x128xf32>, vector<1024x128xf32> -> vector<1024x128xf32>
    %add3A_20 = arith.addf %add3A_12, %dot_general3A_19 : vector<1024x128xf32>
    %get3A_21 = arith.constant 0 : index
    %get3A_22 = arith.constant 0 : index
    %get3A_23 = vector.load %arg6[%get3A_21, %get3A_22] : memref<128x128xf32, #tpu.memory_space<vmem>>, vector<128x128xf32>
    %dot_general3A_24 = arith.constant dense<0.000000e+00> : vector<1024x128xf32>
    %dot_general3A_25 = tpu.matmul %add3A_20, %get3A_23, %dot_general3A_24 {dimension_numbers = #tpu.dot_dimension_numbers<[1], [0], [0], [1], [0, 0, 1, 1], [], []>, transpose_lhs_hint = false} : vector<1024x128xf32>, vector<128x128xf32>, vector<1024x128xf32> -> vector<1024x128xf32>
    %get3A_26 = arith.constant 0 : index
    %get3A_27 = arith.constant 0 : index
    %get3A_28 = vector.load %arg7[%get3A_26, %get3A_27] : memref<1x128xf32, #tpu.memory_space<vmem>>, vector<1x128xf32>
    %add3A_29 = vector.broadcast %get3A_28 : vector<1x128xf32> to vector<1024x128xf32>
    %add3A_30 = arith.addf %dot_general3A_25, %add3A_29 : vector<1024x128xf32>
    %max3A = arith.constant 0.000000e+00 : f32
    %max3A_31 = vector.broadcast %max3A : f32 to vector<1024x128xf32>
    %max3A_32 = arith.maximumf %add3A_30, %max3A_31 : vector<1024x128xf32>
    %get3A_33 = arith.constant 0 : index
    %get3A_34 = arith.constant 0 : index
    %get3A_35 = vector.load %arg8[%get3A_33, %get3A_34] : memref<128x128xf32, #tpu.memory_space<vmem>>, vector<128x128xf32>
    %dot_general3A_36 = arith.constant dense<0.000000e+00> : vector<1024x128xf32>
    %dot_general3A_37 = tpu.matmul %max3A_32, %get3A_35, %dot_general3A_36 {dimension_numbers = #tpu.dot_dimension_numbers<[1], [0], [0], [1], [0, 0, 1, 1], [], []>, transpose_lhs_hint = false} : vector<1024x128xf32>, vector<128x128xf32>, vector<1024x128xf32> -> vector<1024x128xf32>
    %get3A_38 = arith.constant 0 : index
    %get3A_39 = arith.constant 0 : index
    %get3A_40 = vector.load %arg9[%get3A_38, %get3A_39] : memref<1x128xf32, #tpu.memory_space<vmem>>, vector<1x128xf32>
    %add3A_41 = vector.broadcast %get3A_40 : vector<1x128xf32> to vector<1024x128xf32>
    %add3A_42 = arith.addf %dot_general3A_37, %add3A_41 : vector<1024x128xf32>
    %max3A_43 = arith.constant 0.000000e+00 : f32
    %max3A_44 = vector.broadcast %max3A_43 : f32 to vector<1024x128xf32>
    %max3A_45 = arith.maximumf %add3A_42, %max3A_44 : vector<1024x128xf32>
    %swap3A = arith.constant 0 : index
    %swap3A_46 = arith.constant 0 : index
    %swap3A_47 = vector.load %arg10[%swap3A, %swap3A_46] : memref<1024x128xf32, #tpu.memory_space<vmem>>, vector<1024x128xf32>
    tpu.vector_store %arg10[%swap3A, %swap3A_46], %max3A_45 {strides = array<i32>} : memref<1024x128xf32, #tpu.memory_space<vmem>>, vector<1024x128xf32>,
    %get3A_48 = arith.constant 0 : index
    %get3A_49 = arith.constant 0 : index
    %get3A_50 = vector.load %arg4[%get3A_48, %get3A_49] : memref<1024x32xf32, #tpu.memory_space<vmem>>, vector<1024x32xf32>
    %dot_general3A_51 = arith.constant dense<0.000000e+00> : vector<32x128xf32>
    %dot_general3A_52 = tpu.matmul %get3A_50, %max3A_45, %dot_general3A_51 {dimension_numbers = #tpu.dot_dimension_numbers<[0], [0], [1], [1], [0, 1, 1, 1], [], []>, transpose_lhs_hint = false} : vector<1024x32xf32>, vector<1024x128xf32>, vector<32x128xf32> -> vector<32x128xf32>
    %eq3A = arith.constant 0 : i32
    %eq3A_53 = arith.cmpi eq, %arg0, %eq3A : i32
    %convert_element_type3A = arith.extui %eq3A_53 : i1 to i32
    %cond3A = arith.constant 0 : i32
    %cond3A_54 = arith.cmpi ne, %convert_element_type3A, %cond3A : i32
    scf.if %cond3A_54 {
      %broadcast_in_dim3A = arith.constant 0.000000e+00 : f32
      %broadcast_in_dim3A_62 = vector.broadcast %broadcast_in_dim3A : f32 to vector<32x128xf32>
      %swap3A_63 = arith.constant 0 : index
      %swap3A_64 = arith.constant 0 : index
      %swap3A_65 = vector.load %arg11[%swap3A_63, %swap3A_64] : memref<32x128xf32, #tpu.memory_space<vmem>>, vector<32x128xf32>
      tpu.vector_store %arg11[%swap3A_63, %swap3A_64], %broadcast_in_dim3A_62 {strides = array<i32>} : memref<32x128xf32, #tpu.memory_space<vmem>>, vector<32x128xf32>,
    } else {
    }
    %get3A_55 = arith.constant 0 : index
    %get3A_56 = arith.constant 0 : index
    %get3A_57 = vector.load %arg11[%get3A_55, %get3A_56] : memref<32x128xf32, #tpu.memory_space<vmem>>, vector<32x128xf32>
    %add3A_58 = arith.addf %get3A_57, %dot_general3A_52 : vector<32x128xf32>
    %swap3A_59 = arith.constant 0 : index
    %swap3A_60 = arith.constant 0 : index
    %swap3A_61 = vector.load %arg11[%swap3A_59, %swap3A_60] : memref<32x128xf32, #tpu.memory_space<vmem>>, vector<32x128xf32>
    tpu.vector_store %arg11[%swap3A_59, %swap3A_60], %add3A_58 {strides = array<i32>} : memref<32x128xf32, #tpu.memory_space<vmem>>, vector<32x128xf32>,
    return
  }
  func.func @transform_0(%arg0: i32) -> (i32, i32) {
    %c0_i32 = arith.constant 0 : i32
    %c0_i32_0 = arith.constant 0 : i32
    return %arg0, %c0_i32 : i32, i32
  }
  func.func @transform_1(%arg0: i32) -> (i32, i32, i32) {
    %c0_i32 = arith.constant 0 : i32
    %c0_i32_0 = arith.constant 0 : i32
    %c0_i32_1 = arith.constant 0 : i32
    return %c0_i32, %arg0, %c0_i32_0 : i32, i32, i32
  }
  func.func @transform_2(%arg0: i32) -> (i32, i32) {
    %c0_i32 = arith.constant 0 : i32
    %c0_i32_0 = arith.constant 0 : i32
    return %arg0, %c0_i32 : i32, i32
  }
  func.func @transform_3(%arg0: i32) -> (i32, i32) {
    %c0_i32 = arith.constant 0 : i32
    %c0_i32_0 = arith.constant 0 : i32
    return %arg0, %c0_i32 : i32, i32
  }
  func.func @transform_4(%arg0: i32) -> (i32, i32) {
    %c0_i32 = arith.constant 0 : i32
    %c0_i32_0 = arith.constant 0 : i32
    %c0_i32_1 = arith.constant 0 : i32
    return %c0_i32, %c0_i32_0 : i32, i32
  }
  func.func @transform_5(%arg0: i32) -> (i32, i32) {
    %c0_i32 = arith.constant 0 : i32
    %c0_i32_0 = arith.constant 0 : i32
    %c0_i32_1 = arith.constant 0 : i32
    return %c0_i32, %c0_i32_0 : i32, i32
  }
  func.func @transform_6(%arg0: i32) -> (i32, i32) {
    %c0_i32 = arith.constant 0 : i32
    %c0_i32_0 = arith.constant 0 : i32
    %c0_i32_1 = arith.constant 0 : i32
    return %c0_i32, %c0_i32_0 : i32, i32
  }
  func.func @transform_7(%arg0: i32) -> (i32, i32) {
    %c0_i32 = arith.constant 0 : i32
    %c0_i32_0 = arith.constant 0 : i32
    %c0_i32_1 = arith.constant 0 : i32
    return %c0_i32, %c0_i32_0 : i32, i32
  }
  func.func @transform_8(%arg0: i32) -> (i32, i32) {
    %c0_i32 = arith.constant 0 : i32
    %c0_i32_0 = arith.constant 0 : i32
    %c0_i32_1 = arith.constant 0 : i32
    return %c0_i32, %c0_i32_0 : i32, i32
  }
  func.func @transform_9(%arg0: i32) -> (i32, i32) {
    %c0_i32 = arith.constant 0 : i32
    %c0_i32_0 = arith.constant 0 : i32
    return %arg0, %c0_i32 : i32, i32
  }
  func.func @transform_10(%arg0: i32) -> (i32, i32) {
    %c0_i32 = arith.constant 0 : i32
    %c0_i32_0 = arith.constant 0 : i32
    %c0_i32_1 = arith.constant 0 : i32
    return %c0_i32, %c0_i32_0 : i32, i32
  }
}

module attributes {stable_mosaic.version = 14 : i64} {
  func.func @_mlp_body(%arg0: i32, %arg1: memref<1024x128xf32, #tpu.memory_space<vmem>>, %arg2: memref<2x1024x128xf32, #tpu.memory_space<vmem>>, %arg3: memref<1024x32xf32, #tpu.memory_space<vmem>>, %arg4: memref<1024x32xf32, #tpu.memory_space<vmem>>, %arg5: memref<32x128xf32, #tpu.memory_space<vmem>>, %arg6: memref<128x128xf32, #tpu.memory_space<vmem>>, %arg7: memref<1x128xf32, #tpu.memory_space<vmem>>, %arg8: memref<128x128xf32, #tpu.memory_space<vmem>>, %arg9: memref<1x128xf32, #tpu.memory_space<vmem>>, %arg10: memref<1024x128xf32, #tpu.memory_space<vmem>>, %arg11: memref<32x128xf32, #tpu.memory_space<vmem>>) attributes {dimension_semantics = [#tpu.dimension_semantics<arbitrary>], iteration_bounds = array<i64: 10>, scalar_prefetch = 0 : i64, scratch_operands = 0 : i64, tpu.core_type = #tpu.core_type<tc>, window_params = [{transform_indices = @transform_0, window_bounds = array<i64: 1024, 128>}, {transform_indices = @transform_1, window_bounds = array<i64: 2, 1024, 128>}, {transform_indices = @transform_2, window_bounds = array<i64: 1024, 32>}, {transform_indices = @transform_3, window_bounds = array<i64: 1024, 32>}, {pipeline_mode = #tpu.pipeline_mode<synchronous>, transform_indices = @transform_4, window_bounds = array<i64: 32, 128>}, {pipeline_mode = #tpu.pipeline_mode<synchronous>, transform_indices = @transform_5, window_bounds = array<i64: 128, 128>}, {pipeline_mode = #tpu.pipeline_mode<synchronous>, transform_indices = @transform_6, window_bounds = array<i64: 1, 128>}, {pipeline_mode = #tpu.pipeline_mode<synchronous>, transform_indices = @transform_7, window_bounds = array<i64: 128, 128>}, {pipeline_mode = #tpu.pipeline_mode<synchronous>, transform_indices = @transform_8, window_bounds = array<i64: 1, 128>}, {transform_indices = @transform_9, window_bounds = array<i64: 1024, 128>}, {pipeline_mode = #tpu.pipeline_mode<synchronous>, transform_indices = @transform_10, window_bounds = array<i64: 32, 128>}]} {
    %get3A = arith.constant 0 : index
    %get3A_0 = arith.constant 0 : index
    %get3A_1 = vector.load %arg1[%get3A, %get3A_0] : memref<1024x128xf32, #tpu.memory_space<vmem>>, vector<1024x128xf32>
    %get3A_2 = arith.constant 0 : index
    %get3A_3 = arith.constant 0 : index
    %get3A_4 = arith.constant 0 : index
    %get3A_5 = vector.load %arg2[%get3A_2, %get3A_3, %get3A_4] : memref<2x1024x128xf32, #tpu.memory_space<vmem>>, vector<1x1024x128xf32>
    %get3A_6 = vector.shape_cast %get3A_5 : vector<1x1024x128xf32> to vector<1024x128xf32>
    %add3A = arith.addf %get3A_1, %get3A_6 : vector<1024x128xf32>
    %get3A_7 = arith.constant 1 : index
    %get3A_8 = arith.constant 0 : index
    %get3A_9 = arith.constant 0 : index
    %get3A_10 = vector.load %arg2[%get3A_7, %get3A_8, %get3A_9] : memref<2x1024x128xf32, #tpu.memory_space<vmem>>, vector<1x1024x128xf32>
    %get3A_11 = vector.shape_cast %get3A_10 : vector<1x1024x128xf32> to vector<1024x128xf32>
    %add3A_12 = arith.addf %add3A, %get3A_11 : vector<1024x128xf32>
    %get3A_13 = arith.constant 0 : index
    %get3A_14 = arith.constant 0 : index
    %get3A_15 = vector.load %arg3[%get3A_13, %get3A_14] : memref<1024x32xf32, #tpu.memory_space<vmem>>, vector<1024x32xf32>
    %get3A_16 = arith.constant 0 : index
    %get3A_17 = arith.constant 0 : index
    %get3A_18 = vector.load %arg5[%get3A_16, %get3A_17] : memref<32x128xf32, #tpu.memory_space<vmem>>, vector<32x128xf32>
    %dot_general3A = arith.constant dense<0.000000e+00> : vector<1024x128xf32>
    %dot_general3A_19 = tpu.matmul %get3A_15, %get3A_18, %dot_general3A {dimension_numbers = #tpu.dot_dimension_numbers<[1], [0], [0], [1], [0, 0, 1, 1], [], []>, transpose_lhs_hint = false} : vector<1024x32xf32>, vector<32x128xf32>, vector<1024x128xf32> -> vector<1024x128xf32>
    %add3A_20 = arith.addf %add3A_12, %dot_general3A_19 : vector<1024x128xf32>
    %get3A_21 = arith.constant 0 : index
    %get3A_22 = arith.constant 0 : index
    %get3A_23 = vector.load %arg6[%get3A_21, %get3A_22] : memref<128x128xf32, #tpu.memory_space<vmem>>, vector<128x128xf32>
    %dot_general3A_24 = arith.constant dense<0.000000e+00> : vector<1024x128xf32>
    %dot_general3A_25 = tpu.matmul %add3A_20, %get3A_23, %dot_general3A_24 {dimension_numbers = #tpu.dot_dimension_numbers<[1], [0], [0], [1], [0, 0, 1, 1], [], []>, transpose_lhs_hint = false} : vector<1024x128xf32>, vector<128x128xf32>, vector<1024x128xf32> -> vector<1024x128xf32>
    %get3A_26 = arith.constant 0 : index
    %get3A_27 = arith.constant 0 : index
    %get3A_28 = vector.load %arg7[%get3A_26, %get3A_27] : memref<1x128xf32, #tpu.memory_space<vmem>>, vector<1x128xf32>
    %add3A_29 = vector.broadcast %get3A_28 : vector<1x128xf32> to vector<1024x128xf32>
    %add3A_30 = arith.addf %dot_general3A_25, %add3A_29 : vector<1024x128xf32>
    %max3A = arith.constant 0.000000e+00 : f32
    %max3A_31 = vector.broadcast %max3A : f32 to vector<1024x128xf32>
    %max3A_32 = arith.maximumf %add3A_30, %max3A_31 : vector<1024x128xf32>
    %get3A_33 = arith.constant 0 : index
    %get3A_34 = arith.constant 0 : index
    %get3A_35 = vector.load %arg8[%get3A_33, %get3A_34] : memref<128x128xf32, #tpu.memory_space<vmem>>, vector<128x128xf32>
    %dot_general3A_36 = arith.constant dense<0.000000e+00> : vector<1024x128xf32>
    %dot_general3A_37 = tpu.matmul %max3A_32, %get3A_35, %dot_general3A_36 {dimension_numbers = #tpu.dot_dimension_numbers<[1], [0], [0], [1], [0, 0, 1, 1], [], []>, transpose_lhs_hint = false} : vector<1024x128xf32>, vector<128x128xf32>, vector<1024x128xf32> -> vector<1024x128xf32>
    %get3A_38 = arith.constant 0 : index
    %get3A_39 = arith.constant 0 : index
    %get3A_40 = vector.load %arg9[%get3A_38, %get3A_39] : memref<1x128xf32, #tpu.memory_space<vmem>>, vector<1x128xf32>
    %add3A_41 = vector.broadcast %get3A_40 : vector<1x128xf32> to vector<1024x128xf32>
    %add3A_42 = arith.addf %dot_general3A_37, %add3A_41 : vector<1024x128xf32>
    %swap3A = arith.constant 0 : index
    %swap3A_43 = arith.constant 0 : index
    %swap3A_44 = vector.load %arg10[%swap3A, %swap3A_43] : memref<1024x128xf32, #tpu.memory_space<vmem>>, vector<1024x128xf32>
    tpu.vector_store %arg10[%swap3A, %swap3A_43], %add3A_42 {strides = array<i32>} : memref<1024x128xf32, #tpu.memory_space<vmem>>, vector<1024x128xf32>,
    %get3A_45 = arith.constant 0 : index
    %get3A_46 = arith.constant 0 : index
    %get3A_47 = vector.load %arg4[%get3A_45, %get3A_46] : memref<1024x32xf32, #tpu.memory_space<vmem>>, vector<1024x32xf32>
    %dot_general3A_48 = arith.constant dense<0.000000e+00> : vector<32x128xf32>
    %dot_general3A_49 = tpu.matmul %get3A_47, %add3A_42, %dot_general3A_48 {dimension_numbers = #tpu.dot_dimension_numbers<[0], [0], [1], [1], [0, 1, 1, 1], [], []>, transpose_lhs_hint = false} : vector<1024x32xf32>, vector<1024x128xf32>, vector<32x128xf32> -> vector<32x128xf32>
    %eq3A = arith.constant 0 : i32
    %eq3A_50 = arith.cmpi eq, %arg0, %eq3A : i32
    %convert_element_type3A = arith.extui %eq3A_50 : i1 to i32
    %cond3A = arith.constant 0 : i32
    %cond3A_51 = arith.cmpi ne, %convert_element_type3A, %cond3A : i32
    scf.if %cond3A_51 {
      %broadcast_in_dim3A = arith.constant 0.000000e+00 : f32
      %broadcast_in_dim3A_59 = vector.broadcast %broadcast_in_dim3A : f32 to vector<32x128xf32>
      %swap3A_60 = arith.constant 0 : index
      %swap3A_61 = arith.constant 0 : index
      %swap3A_62 = vector.load %arg11[%swap3A_60, %swap3A_61] : memref<32x128xf32, #tpu.memory_space<vmem>>, vector<32x128xf32>
      tpu.vector_store %arg11[%swap3A_60, %swap3A_61], %broadcast_in_dim3A_59 {strides = array<i32>} : memref<32x128xf32, #tpu.memory_space<vmem>>, vector<32x128xf32>,
    } else {
    }
    %get3A_52 = arith.constant 0 : index
    %get3A_53 = arith.constant 0 : index
    %get3A_54 = vector.load %arg11[%get3A_52, %get3A_53] : memref<32x128xf32, #tpu.memory_space<vmem>>, vector<32x128xf32>
    %add3A_55 = arith.addf %get3A_54, %dot_general3A_49 : vector<32x128xf32>
    %swap3A_56 = arith.constant 0 : index
    %swap3A_57 = arith.constant 0 : index
    %swap3A_58 = vector.load %arg11[%swap3A_56, %swap3A_57] : memref<32x128xf32, #tpu.memory_space<vmem>>, vector<32x128xf32>
    tpu.vector_store %arg11[%swap3A_56, %swap3A_57], %add3A_55 {strides = array<i32>} : memref<32x128xf32, #tpu.memory_space<vmem>>, vector<32x128xf32>,
    return
  }
  func.func @transform_0(%arg0: i32) -> (i32, i32) {
    %c0_i32 = arith.constant 0 : i32
    %c0_i32_0 = arith.constant 0 : i32
    return %arg0, %c0_i32 : i32, i32
  }
  func.func @transform_1(%arg0: i32) -> (i32, i32, i32) {
    %c0_i32 = arith.constant 0 : i32
    %c0_i32_0 = arith.constant 0 : i32
    %c0_i32_1 = arith.constant 0 : i32
    return %c0_i32, %arg0, %c0_i32_0 : i32, i32, i32
  }
  func.func @transform_2(%arg0: i32) -> (i32, i32) {
    %c0_i32 = arith.constant 0 : i32
    %c0_i32_0 = arith.constant 0 : i32
    return %arg0, %c0_i32 : i32, i32
  }
  func.func @transform_3(%arg0: i32) -> (i32, i32) {
    %c0_i32 = arith.constant 0 : i32
    %c0_i32_0 = arith.constant 0 : i32
    return %arg0, %c0_i32 : i32, i32
  }
  func.func @transform_4(%arg0: i32) -> (i32, i32) {
    %c0_i32 = arith.constant 0 : i32
    %c0_i32_0 = arith.constant 0 : i32
    %c0_i32_1 = arith.constant 0 : i32
    return %c0_i32, %c0_i32_0 : i32, i32
  }
  func.func @transform_5(%arg0: i32) -> (i32, i32) {
    %c0_i32 = arith.constant 0 : i32
    %c0_i32_0 = arith.constant 0 : i32
    %c0_i32_1 = arith.constant 0 : i32
    return %c0_i32, %c0_i32_0 : i32, i32
  }
  func.func @transform_6(%arg0: i32) -> (i32, i32) {
    %c0_i32 = arith.constant 0 : i32
    %c0_i32_0 = arith.constant 0 : i32
    %c0_i32_1 = arith.constant 0 : i32
    return %c0_i32, %c0_i32_0 : i32, i32
  }
  func.func @transform_7(%arg0: i32) -> (i32, i32) {
    %c0_i32 = arith.constant 0 : i32
    %c0_i32_0 = arith.constant 0 : i32
    %c0_i32_1 = arith.constant 0 : i32
    return %c0_i32, %c0_i32_0 : i32, i32
  }
  func.func @transform_8(%arg0: i32) -> (i32, i32) {
    %c0_i32 = arith.constant 0 : i32
    %c0_i32_0 = arith.constant 0 : i32
    %c0_i32_1 = arith.constant 0 : i32
    return %c0_i32, %c0_i32_0 : i32, i32
  }
  func.func @transform_9(%arg0: i32) -> (i32, i32) {
    %c0_i32 = arith.constant 0 : i32
    %c0_i32_0 = arith.constant 0 : i32
    return %arg0, %c0_i32 : i32, i32
  }
  func.func @transform_10(%arg0: i32) -> (i32, i32) {
    %c0_i32 = arith.constant 0 : i32
    %c0_i32_0 = arith.constant 0 : i32
    %c0_i32_1 = arith.constant 0 : i32
    return %c0_i32, %c0_i32_0 : i32, i32
  }
}

module attributes {stable_mosaic.version = 14 : i64} {
  func.func @_final_body(%arg0: memref<16x128xf32, #tpu.memory_space<vmem>>, %arg1: memref<128x128xf32, #tpu.memory_space<vmem>>, %arg2: memref<1x128xf32, #tpu.memory_space<vmem>>, %arg3: memref<16x128xf32, #tpu.memory_space<vmem>>) attributes {dimension_semantics = [], scalar_prefetch = 0 : i64, scratch_operands = 0 : i64, tpu.core_type = #tpu.core_type<tc>} {
    %get3A = arith.constant 0 : index
    %get3A_0 = arith.constant 0 : index
    %get3A_1 = vector.load %arg0[%get3A, %get3A_0] : memref<16x128xf32, #tpu.memory_space<vmem>>, vector<16x128xf32>
    %max3A = arith.constant 0.000000e+00 : f32
    %max3A_2 = vector.broadcast %max3A : f32 to vector<16x128xf32>
    %max3A_3 = arith.maximumf %get3A_1, %max3A_2 : vector<16x128xf32>
    %get3A_4 = arith.constant 0 : index
    %get3A_5 = arith.constant 0 : index
    %get3A_6 = vector.load %arg1[%get3A_4, %get3A_5] : memref<128x128xf32, #tpu.memory_space<vmem>>, vector<128x128xf32>
    %dot_general3A = arith.constant dense<0.000000e+00> : vector<16x128xf32>
    %dot_general3A_7 = tpu.matmul %max3A_3, %get3A_6, %dot_general3A {dimension_numbers = #tpu.dot_dimension_numbers<[1], [0], [0], [1], [0, 0, 1, 1], [], []>, transpose_lhs_hint = false} : vector<16x128xf32>, vector<128x128xf32>, vector<16x128xf32> -> vector<16x128xf32>
    %get3A_8 = arith.constant 0 : index
    %get3A_9 = arith.constant 0 : index
    %get3A_10 = vector.load %arg2[%get3A_8, %get3A_9] : memref<1x128xf32, #tpu.memory_space<vmem>>, vector<1x128xf32>
    %add3A = vector.broadcast %get3A_10 : vector<1x128xf32> to vector<16x128xf32>
    %add3A_11 = arith.addf %dot_general3A_7, %add3A : vector<16x128xf32>
    %swap3A = arith.constant 0 : index
    %swap3A_12 = arith.constant 0 : index
    %swap3A_13 = vector.load %arg3[%swap3A, %swap3A_12] : memref<16x128xf32, #tpu.memory_space<vmem>>, vector<16x128xf32>
    tpu.vector_store %arg3[%swap3A, %swap3A_12], %add3A_11 {strides = array<i32>} : memref<16x128xf32, #tpu.memory_space<vmem>>, vector<16x128xf32>,
    return
  }
}

</mosaic_0001>

<sc_bundles>
// kernel: kernel.10.cloned.1.call-start
scs
__scs_entry_jumppad:
0x0: {  	(pc) =	sbr.rel $0x88, $3  }
0x1: {  	(tag) =	ssettag $0x0;
	lr =	simm.s32 $0x1  }
0x2: {  	[smem:$0x3F98] =	sst lr;
	_ =	strace $0xD0000000  }
0x3: {  	_ = 	snop  }
0x4: {  	_ = 	snop  }
0x5: {  	_ = 	snop  }
0x6: {  	_ = 	snop  }
0x7: {  	_ = 	snop  }
__scs_overlays_trampoline_lowered:
0x8: {  	[smem:$0x3FA7] =	sst s0  }
0x9: {  	[smem:$0x3FA8] =	sst s1  }
0xa: {  	[smem:$0x3FA9] =	sst s2  }
0xb: {  	[smem:$0x3FAA] =	sst s3  }
0xc: {  	[smem:$0x3FAB] =	sst s4  }
0xd: {  	[smem:$0x3FAC] =	sst s5  }
0xe: {  	[smem:$0x3FAD] =	sst s6  }
0xf: {  	[smem:$0x3FAE] =	sst s7  }
0x10: {  	[smem:$0x3FAF] =	sst s8  }
0x11: {  	[smem:$0x3FB0] =	sst s9;
	s0 =	simm.s32 @!p0 $0x0  }
0x12: {  	s1 =	sld [smem:$0x3F96];
	s0 =	simm.s32 @p0 $0x1  }
0x13: {  	[smem:$0x3FB1] =	sst s0;
	s0 =	simm.s32 @!p1 $0x0  }
0x14: {  	s2 =	sld [smem:$0x3F95];
	s0 =	simm.s32 @p1 $0x1  }
0x15: {  	[smem:$0x3FB2] =	sst s0;
	s0 =	simm.s32 @!p2 $0x0  }
0x16: {  	s3 =	sld [smem:$0x3FDB];
	s0 =	simm.s32 @p2 $0x1  }
0x17: {  	s4 =	simm.s32 $0x1BF5;
	[smem:$0x3FB4] =	sst s0  }
0x18: {  	s0 =	sld [smem:$0x3F97];
	_ =	swait.ge [sflag:s4], $0x0  }
0x19: {  	s7 =	sld [smem:$0x3F98]  }
0x1a: {  	s8 =	sadd.s32 $0xFFFFE003, lr  }
0x1b: {  	s9 =	sadd.s32 $0xFFFFFEF7, lr;
	s5 =	simm.s32 $0xFFFFFFFF;
	p2 =	slt.u32 s8, $0xFFFFF086  }
0x1c: {  	p1 =	slt.u32 s9, $0xF7A;
	s5 =	simm.s32 @!p2 $0x0  }
0x1d: {  	s5 =	simm.s32 @p1 $0x1;
	p0 =	seq.s32 s7, s2  }
0x1e: {  	s7 =	smul.u32 @!p0 $0xF7A, s2;
	p2 =	seq.s32 @!p0 s5, $0x0  }
0x1f: {  	s9 =	smul.u32 $0xF7A, s1;
	s8 =	simm.s32 @!p0 $0x1BF5;
	p2 =	por !p2, p0  }
0x20: {  	[sflag:s8] =	ssyncset.s32 @!p0 $0xFFFFF086;
	s6 =	sadd.s32 @!p0 s3, s7;
	s7 =	simm.s32 @!p0 $0x108  }
0x21: {  	s3 =	sadd.s32 s3, s9;
	s6 =	sadd.s32 @!p0 $0x88, s6;
	s7 =	simm.s32 @p2 $0x1082  }
0x22: {  	[simem:s7], [sflag:s8] =	dma.local @!p0 [hbm:s6], $0xF7A  }
0x23: {  	s9 =	sor.u32 $0xD0000000, s2;
	s6 =	simm.s32 $0x108;
	_ =	swait.ge @!p0 [sflag:s8], $0x0  }
0x24: {  	s3 =	sadd.s32 $0x88, s3;
	s6 =	simm.s32 @!p1 $0x1082;
	[sflag:s4] =	ssyncset.s32 $0xFFFFF086  }
0x25: {  	[simem:s6], [sflag:s4] =	dma.local [hbm:s3], $0xF7A  }
0x26: {  	[smem:$0x3F98] =	sst s1;
	(tag) =	ssettag s2;
	_ =	strace s9  }
0x27: {  	s1 =	sld [smem:$0x3FA8]  }
0x28: {  	s2 =	sld [smem:$0x3FA9]  }
0x29: {  	s4 =	sld [smem:$0x3FAB]  }
0x2a: {  	p0 =	seq.s32 s5, $0x0;
	s5 =	sld [smem:$0x3FAC]  }
0x2b: {  	s6 =	sld [smem:$0x3FAD]  }
0x2c: {  	s7 =	sld [smem:$0x3FAE]  }
0x2d: {  	s3 =	simm.s32 $0x108;
	s8 =	sld [smem:$0x3FAF]  }
0x2e: {  	s3 =	simm.s32 @!p0 $0x1082;
	s9 =	sld [smem:$0x3FB0]  }
0x2f: {  	lr =	sadd.s32 s0, s3;
	s0 =	sld [smem:$0x3FA7]  }
0x30: {  	s3 =	sld [smem:$0x3FAA]  }
0x31: {  	[smem:$0x3FB3] =	sst s10  }
0x32: {  	s10 =	sld [smem:$0x3FB1];
	_ =	sdelay $0x3  }
0x33: {  	p0 =	seq.s32 s10, $0x1;
	s10 =	sld [smem:$0x3FB3];
	_ =	sdelay $0x3  }
0x34: {  	[smem:$0x3FB3] =	sst s10  }
0x35: {  	s10 =	sld [smem:$0x3FB2];
	_ =	sdelay $0x3  }
0x36: {  	p1 =	seq.s32 s10, $0x1;
	s10 =	sld [smem:$0x3FB3];
	_ =	sdelay $0x3  }
0x37: {  	[smem:$0x3FB3] =	sst s10  }
0x38: {  	s10 =	sld [smem:$0x3FB4]  }
0x39: {  	_ = 	snop;
	(pc) =	sbr.ind lr, $3  }
0x3a: {  	_ = 	snop  }
0x3b: {  	_ = 	snop  }
0x3c: {  	p2 =	seq.s32 s10, $0x1;
	s10 =	sld [smem:$0x3FB3]  }
0x3d: {  	_ =	shalt  }
0x3e: {  	_ =	shalt  }
0x3f: {  	_ =	shalt  }
0x40: {  	_ =	shalt  }
0x41: {  	_ =	shalt  }
0x42: {  	_ =	shalt  }
0x43: {  	_ =	shalt  }
0x44: {  	_ =	shalt  }
0x45: {  	_ =	shalt  }
0x46: {  	_ =	shalt  }
0x47: {  	_ =	shalt  }
0x48: {  	_ =	shalt  }
0x49: {  	_ =	shalt  }
0x4a: {  	_ =	shalt  }
0x4b: {  	_ =	shalt  }
0x4c: {  	_ =	shalt  }
0x4d: {  	_ =	shalt  }
0x4e: {  	_ =	shalt  }
0x4f: {  	_ =	shalt  }
0x50: {  	_ =	shalt  }
0x51: {  	_ =	shalt  }
0x52: {  	_ =	shalt  }
0x53: {  	_ =	shalt  }
0x54: {  	_ =	shalt  }
0x55: {  	_ =	shalt  }
0x56: {  	_ =	shalt  }
0x57: {  	_ =	shalt  }
0x58: {  	_ =	shalt  }
0x59: {  	_ =	shalt  }
0x5a: {  	_ =	shalt  }
0x5b: {  	_ =	shalt  }
0x5c: {  	_ =	shalt  }
0x5d: {  	_ =	shalt  }
0x5e: {  	_ =	shalt  }
0x5f: {  	_ =	shalt  }
0x60: {  	_ =	shalt  }
0x61: {  	_ =	shalt  }
0x62: {  	_ =	shalt  }
0x63: {  	_ =	shalt  }
0x64: {  	_ =	shalt  }
0x65: {  	_ =	shalt  }
0x66: {  	_ =	shalt  }
0x67: {  	_ =	shalt  }
0x68: {  	_ =	shalt  }
0x69: {  	_ =	shalt  }
0x6a: {  	_ =	shalt  }
0x6b: {  	_ =	shalt  }
0x6c: {  	_ =	shalt  }
0x6d: {  	_ =	shalt  }
0x6e: {  	_ =	shalt  }
0x6f: {  	_ =	shalt  }
0x70: {  	_ =	shalt  }
0x71: {  	_ =	shalt  }
0x72: {  	_ =	shalt  }
0x73: {  	_ =	shalt  }
0x74: {  	_ =	shalt  }
0x75: {  	_ =	shalt  }
0x76: {  	_ =	shalt  }
0x77: {  	_ =	shalt  }
0x78: {  	_ =	shalt  }
0x79: {  	_ =	shalt  }
0x7a: {  	_ =	shalt  }
0x7b: {  	_ =	shalt  }
0x7c: {  	_ =	shalt  }
0x7d: {  	_ =	shalt  }
0x7e: {  	_ =	shalt  }
0x7f: {  	_ =	shalt  }
0x80: {  	_ =	shalt  }
0x81: {  	_ =	shalt  }
0x82: {  	_ =	shalt  }
0x83: {  	_ =	shalt  }
0x84: {  	_ =	shalt  }
0x85: {  	_ =	shalt  }
0x86: {  	_ =	shalt  }
0x87: {  	_ =	shalt  }
.Lfunc_end0:
.L_simem_size_0:
called_computation_lowered:
.L_overlay_start_0:
0x88: {  	s2 =	sld [smem:$0x3FD9]  }
0x89: {  	s3 =	sld [smem:$0x3FFE];
	_ =	sdelay $0x1  }
0x8a: {  	s1 =	srdreg.scid  }
0x8b: {  	s0 =	sand.u32 $0x1, s1  }
0x8c: {  	s16 =	sshll.u32 s0, $0xA;
	s2 =	sadd.s32 s3, s2  }
0x8d: {  	s2 =	sadd.s32 s2, s16  }
0x8e: {  	[smem:$0x3FBF] =	sst s2  }
0x8f: {  	_ = 	snop  }
0x90: {  	(tm) =	ssettm $0x1  }
0x91: {  	s17 =	sld [smem:$0x3FFB];
	_ =	sdelay $0x3  }
0x92: {  	_ =	strace s17  }
0x93: {  	s2 =	sld [smem:$0x3FFC];
	_ =	sdelay $0x3  }
0x94: {  	_ =	strace s2  }
0x95: {  	s2 =	sld [smem:$0x3FFD];
	_ =	sdelay $0x3  }
0x96: {  	_ =	strace s2  }
0x97: {  	_ =	strace $0x8FFFFFFF  }
0x98: {  	s18 =	sld [smem:$0x3FDB];
	_ =	sdelay $0x1  }
0x99: {  	s19 =	simm.s32 $_scs_section_size  }
0x9a: {  	s4 =	simm.s32 $_size__tile_overlayer_lowered;
	s5 =	simm.s32 $_tile_overlayer_lowered  }
0x9b: {  	s22 =	simm.s32 $0x1BFF;
	s21 =	sshll.u32 s5, $0x1;
	s2 =	sadd.s32 s19, s18  }
0x9c: {  	s6 =	simm.s32 $0x0;
	s20 =	sshll.u32 s4, $0x1;
	s4 =	sadd.s32 s21, s2  }
0x9d: {  	[timem:s6], [sflag:s22] =	dma.local [hbm:s4], s20  }
0x9e: {  	_ =	swait.ge [sflag:s22], s20  }
0x9f: {  	s3 =	ssub.s32 $0x0, s20;
	[sflag:s22] =	ssyncset.done $0x0  }
0xa0: {  	[sflag:s22] =	ssyncadd.s32 s3;
	_ =	sdelay $0x1  }
0xa1: {  	s23 =	simm.s32 $0x1B8B  }
0xa2: {  	_ =	swait.ge [sflag:s23], $0x1  }
0xa3: {  	[sflag:s23] =	ssyncset.done $0x0  }
0xa4: {  	s25 =	simm.s32 $0x1B8E;
	s24 =	sld [smem:$0x3FFE];
	[sflag:s23] =	ssyncadd.s32 $0xFFFFFFFF  }
0xa5: {  	s26 =	simm.s32 $execute0_lowered;
	[smem:$0x3FD2] =	sst s25  }
0xa6: {  	s4 =	sshll.u32 s26, $0x1;
	_ =	strace $0x80000046;
	[dreg:$0x1] =	wrdreg $0xFFFFFFFF  }
0xa7: {  	s28 =	simm.s32 $_size_execute0_lowered;
	s2 =	sadd.s32 s2, s4;
	[dreg:$0x0] =	wrdreg $0x0  }
0xa8: {  	s4 =	sshll.u32 s28, $0x1;
	[dreg:$0x2] =	wrdreg s2  }
0xa9: {  	[dreg:$0x3] =	wrdreg s4  }
0xaa: {  	[dreg:$0x4] =	wrdreg $0xC0  }
0xab: {  	_ =	task [dreg:s6], $0x5FFFF  }
0xac: {  	[dreg:$0x1] =	wrdreg $0xFFFFFFFF  }
0xad: {  	[dreg:$0x0] =	wrdreg $0x60  }
0xae: {  	[dreg:$0x2] =	wrdreg s24  }
0xaf: {  	[dreg:$0x3] =	wrdreg $0x82000  }
0xb0: {  	[dreg:$0x4] =	wrdreg $0x9  }
0xb1: {  	_ =	task.clear_ibuf [dreg:s6], $0x5FFFF;
	_ =	strace $0x90000046  }
0xb2: {  	s29 =	simm.s32 $0x9;
	_ =	strace $0x80000048  }
0xb3: {  	_ =	swait.ge [sflag:s29], $0x1  }
0xb4: {  	[sflag:s29] =	ssyncadd.s32 $0xFFFFFFFF  }
0xb5: {  	_ =	strace $0x90000048  }
0xb6: {  	_ =	sfence  }
0xb7: {  	s30 =	sld [smem:$0x0];
	_ =	sdelay $0x2  }
0xb8: {  	s31 =	sshll.u32 s1, $0xD;
	s1 =	sshrl.u32 s1, $0x2  }
0xb9: {  	s3 =	sand.u32 $0x4000, s31;
	s1 =	sadd.s32 s1, s30  }
0xba: {  	s0 =	sor.u32 s3, s0;
	s1 =	sshll.u32 s1, $0x11  }
0xbb: {  	s0 =	sor.u32 s1, s0  }
0xbc: {  	s0 =	sadd.s32 $0x8F2B, s0  }
0xbd: {  	[sflag:s0] =	ssyncadd.remote.s32 $0x1  }
0xbe: {  	_ =	sfence.sel $0xFFFF  }
0xbf: {  	[dreg:$0x0] =	wrdreg $0xFFFFFFFF;
	(pc) =	sbr.abs _section_cstart, $3  }
0xc0: {  	[dreg:$0x1] =	wrdreg $0xFFFFFFFF  }
0xc1: {  	_ =	task.clear_ibuf [dreg:s6], $0x2FFFF;
	_ =	strace $0x9FFFFFFF  }
0xc2: {  	(tm) =	ssettm $0x7FFFFFFF  }
0xc3: {  	_ =	shalt  }
tec
execute0_lowered:
.L_overlay_start_1:
0x0: {  	(tag) =	ssettag $0x1  }
0x1: {  	s6 =	rddreg [dreg:$0x0]  }
0x2: {  	s1 =	rddreg [dreg:$0x1]  }
0x3: {  	s0 =	rddreg [dreg:$0x2]  }
0x4: {  	s3 =	simm.s32 $0x0;
	s2 =	srdreg.scid;
	s16 =	simm.s32 $0x3  }
0x5: {  	s17 =	simm.s32 $0x80;
	s18 =	simm.s32 $0x200;
	s7 =	sand.u32 $0x1, s2  }
0x6: {  	s19 =	simm.s32 $0x1;
	s2 =	stileid.u32;
	s8 =	smul.u32 $0x140000, s7  }
0x7: {  	s20 =	simm.s32 $0x4;
	[smem:$0x7FF] =	sst s3;
	s9 =	smul.u32 $0x14000, s2  }
0x8: {  	s4 =	sadd.s32 $0x18000, s6;
	s12 =	sadd.s32 $0x4000, s6;
	s22 =	smul.u32 $0x50000, s2  }
0x9: {  	s5 =	sadd.s32 $0x40000, s6;
	_ =	strace $0x80000047;
	s24 =	smul.u32 $0x50000, s7  }
0xa: {  	s10 =	sshll.u32 s7, $0x4;
	s11 =	ssub.s32 $0x2, s7;
	s26 =	smul.u32 $0x5000, s2  }
0xb: {  	s28 =	sshll.u32 s2, $0x6;
	s21 =	sor.u32 s2, s10;
	s23 =	sshrl.u32 s11, $0x1  }
0xc: {  	s8 =	sadd.s32 s9, s8;
	s9 =	smul.u32 $0x5000, s21;
	s11 =	ssub.s32 s11, s23  }
0xd: {  	s25 =	sshrl.u32 s22, $0x2;
	s30 =	sadd.s32 s26, s24;
	s21 =	simm.s32 $0x4200  }
0xe: {  	s22 =	simm.s32 $0x2;
	s23 =	simm.s32 $0x180;
	s24 =	simm.s32 $0x0  }
0xf: {  	s8 =	sshrl.u32 s8, $0x3;
	s14 =	sadd.s32 s25, s1;
	s10 =	sor.u32 $0x300, s30  }
0x10: {  	s15 =	sor.u32 $0x200, s30;
	s13 =	sadd.s32 s8, s6;
	s29 =	sshrl.u32 s9, $0x3  }
0x11: {  	s6 =	sor.u32 $0x1C05, s28;
	s31 =	sshrl.u32 s10, $0x3;
	s15 =	sshrl.u32 s15, $0x3  }
0x12: {  	s10 =	smax.u32 s11, $0x1;
	s7 =	sadd.s32 s12, s29;
	s9 =	sadd.s32 $0x42800, s13  }
0x13: {  	s11 =	sadd.s32 s31, s12;
	s12 =	sadd.s32 s15, s12;
	s13 =	sshrl.u32 s14, $0x3  }
0x14: {  	s14 =	simm.s32 $0x5;
	s15 =	simm.s32 $0x100;
	s8 =	sadd.s32 $0x20, s7  }
.LBB2_1:
0x15: {  	[spmem:s13], [sflag:s6] =	dma.local [hbm:s5], $0x2800  }
0x16: {  	_ =	swait.ge [sflag:s14], $0x2800  }
0x17: {  	[sflag:s14] =	ssyncset.done $0x0  }
0x18: {  	[sflag:s14] =	ssyncadd.s32 $0xFFFFD800  }
0x19: {  	[bflag:$0x0] =	sbarrier.arrive $0xFFFF  }
0x1a: {  	[tilespmem:s3], [sflag:$0x3] =	stream.linear.gather [hbm4b:s7+s3], $0x100, $0x38;
	[tilespmem:$0x1C200] =	vst v63  }
0x1b: {  	_ = 	snop  }
0x1c: {  	[tilespmem:s15], [sflag:$0x4] =	stream.linear.gather [hbm4b:s8+s3], $0x100, $0x38;
	[tilespmem:$0x1C200] =	vst v63  }
0x1d: {  	_ =	swait.ge [sflag:s16], $0x100  }
0x1e: {  	[sflag:s16] =	ssyncset.done $0x0  }
0x1f: {  	[sflag:s16] =	ssyncadd.s32 $0xFFFFFF00  }
0x20: {  	[tilespmem:s18], [sflag:$0x1] =	stream.indirect.gather [hbm4b:s4+s17], $0x80, s3, s17, $0xb8;
	[tilespmem:$0x1C200] =	vst v63  }
0x21: {  	_ =	swait.ge [sflag:s19], $0x4000  }
0x22: {  	[sflag:s19] =	ssyncset.done $0x0  }
0x23: {  	[sflag:s19] =	ssyncadd.s32 $0xFFFFC000  }
0x24: {  	_ =	swait.ge [sflag:s20], $0x100  }
0x25: {  	[sflag:s20] =	ssyncset.done $0x0  }
0x26: {  	[sflag:s20] =	ssyncadd.s32 $0xFFFFFF00  }
0x27: {  	[tilespmem:s21], [sflag:$0x2] =	stream.indirect.gather [hbm4b:s4+s17], $0x80, s15, s17, $0xb8;
	[tilespmem:$0x1C200] =	vst v63  }
0x28: {  	_ = 	snop  }
0x29: {  	[spmem:s1] =	stream.indirect.scatter.add.f32 [tilespmem:s18], [sflag:$0x5], $0x80, s17, s17, $0xb8;
	[tilespmem:$0x1C200] =	vst v63  }
0x2a: {  	_ =	swait.ge [sflag:s14], $0x4000  }
0x2b: {  	[sflag:s14] =	ssyncset.done $0x0  }
0x2c: {  	s25 =	sadd.s32 $0x0, s12;
	[sflag:s14] =	ssyncadd.s32 $0xFFFFC000  }
0x2d: {  	[tilespmem:s3], [sflag:$0x3] =	stream.linear.gather [hbm4b:s25+s3], $0x100, $0x38;
	[tilespmem:$0x1C200] =	vst v63  }
0x2e: {  	_ =	swait.ge [sflag:s22], $0x4000  }
0x2f: {  	[sflag:s22] =	ssyncset.done $0x0  }
0x30: {  	[sflag:s22] =	ssyncadd.s32 $0xFFFFC000  }
0x31: {  	_ =	swait.ge [sflag:s16], $0x100  }
0x32: {  	[sflag:s16] =	ssyncset.done $0x0  }
0x33: {  	[sflag:s16] =	ssyncadd.s32 $0xFFFFFF00  }
0x34: {  	[tilespmem:s18], [sflag:$0x1] =	stream.indirect.gather [hbm4b:s4+s17], $0x80, s3, s17, $0xb8;
	[tilespmem:$0x1C200] =	vst v63  }
0x35: {  	_ = 	snop  }
0x36: {  	[spmem:s1] =	stream.indirect.scatter.add.f32 [tilespmem:s21], [sflag:$0x5], $0x80, s23, s17, $0xb8;
	[tilespmem:$0x1C200] =	vst v63  }
0x37: {  	_ =	swait.ge [sflag:s14], $0x4000  }
0x38: {  	[sflag:s14] =	ssyncset.done $0x0  }
0x39: {  	s26 =	sadd.s32 $0x0, s11;
	s25 =	simm.s32 $0x40;
	[sflag:s14] =	ssyncadd.s32 $0xFFFFC000  }
.LBB2_2:
0x3a: {  	[tilespmem:s15], [sflag:$0x4] =	stream.linear.gather [hbm4b:s26+s3], $0x100, $0x38;
	[tilespmem:$0x1C200] =	vst v63  }
0x3b: {  	s26 =	smov.u32 s25  }
0x3c: {  	p0 =	sne.s32 s25, $0x980;
	s25 =	sadd.s32 $0x40, s25;
	_ =	swait.ge [sflag:s19], $0x4000  }
0x3d: {  	[sflag:s19] =	ssyncset.done $0x0  }
0x3e: {  	[sflag:s19] =	ssyncadd.s32 $0xFFFFC000  }
0x3f: {  	_ =	swait.ge [sflag:s20], $0x100  }
0x40: {  	[sflag:s20] =	ssyncset.done $0x0  }
0x41: {  	[sflag:s20] =	ssyncadd.s32 $0xFFFFFF00  }
0x42: {  	[tilespmem:s21], [sflag:$0x2] =	stream.indirect.gather [hbm4b:s4+s17], $0x80, s15, s17, $0xb8;
	[tilespmem:$0x1C200] =	vst v63  }
0x43: {  	_ = 	snop  }
0x44: {  	[spmem:s1] =	stream.indirect.scatter.add.f32 [tilespmem:s18], [sflag:$0x5], $0x80, s17, s17, $0xb8;
	[tilespmem:$0x1C200] =	vst v63  }
0x45: {  	_ =	swait.ge [sflag:s14], $0x4000  }
0x46: {  	[sflag:s14] =	ssyncset.done $0x0  }
0x47: {  	s28 =	sadd.s32 s26, s12;
	[sflag:s14] =	ssyncadd.s32 $0xFFFFC000  }
0x48: {  	[tilespmem:s3], [sflag:$0x3] =	stream.linear.gather [hbm4b:s28+s3], $0x100, $0x38;
	[tilespmem:$0x1C200] =	vst v63  }
0x49: {  	_ =	swait.ge [sflag:s22], $0x4000  }
0x4a: {  	[sflag:s22] =	ssyncset.done $0x0  }
0x4b: {  	[sflag:s22] =	ssyncadd.s32 $0xFFFFC000  }
0x4c: {  	_ =	swait.ge [sflag:s16], $0x100  }
0x4d: {  	[sflag:s16] =	ssyncset.done $0x0  }
0x4e: {  	[sflag:s16] =	ssyncadd.s32 $0xFFFFFF00  }
0x4f: {  	[tilespmem:s18], [sflag:$0x1] =	stream.indirect.gather [hbm4b:s4+s17], $0x80, s3, s17, $0xb8;
	[tilespmem:$0x1C200] =	vst v63  }
.Ltmp0:
0x50: {  	(pc) =	sbr.rel @p0 .LBB2_2-.Ltmp0, $4  }
0x51: {  	[spmem:s1] =	stream.indirect.scatter.add.f32 [tilespmem:s21], [sflag:$0x5], $0x80, s23, s17, $0xb8;
	[tilespmem:$0x1C200] =	vst v63  }
0x52: {  	_ =	swait.ge [sflag:s14], $0x4000  }
0x53: {  	[sflag:s14] =	ssyncset.done $0x0  }
0x54: {  	s26 =	sadd.s32 s26, s11;
	[sflag:s14] =	ssyncadd.s32 $0xFFFFC000  }
0x55: {  	[tilespmem:s15], [sflag:$0x4] =	stream.linear.gather [hbm4b:s26+s3], $0x100, $0x38;
	[tilespmem:$0x1C200] =	vst v63  }
0x56: {  	_ =	swait.ge [sflag:s19], $0x4000  }
0x57: {  	[sflag:s19] =	ssyncset.done $0x0  }
0x58: {  	[sflag:s19] =	ssyncadd.s32 $0xFFFFC000  }
0x59: {  	_ =	swait.ge [sflag:s20], $0x100  }
0x5a: {  	[sflag:s20] =	ssyncset.done $0x0  }
0x5b: {  	[sflag:s20] =	ssyncadd.s32 $0xFFFFFF00  }
0x5c: {  	[tilespmem:s21], [sflag:$0x2] =	stream.indirect.gather [hbm4b:s4+s17], $0x80, s15, s17, $0xb8;
	[tilespmem:$0x1C200] =	vst v63  }
0x5d: {  	_ = 	snop  }
0x5e: {  	[spmem:s1] =	stream.indirect.scatter.add.f32 [tilespmem:s18], [sflag:$0x5], $0x80, s17, s17, $0xb8;
	[tilespmem:$0x1C200] =	vst v63  }
0x5f: {  	_ =	swait.ge [sflag:s14], $0x4000  }
0x60: {  	[sflag:s14] =	ssyncset.done $0x0  }
0x61: {  	[sflag:s14] =	ssyncadd.s32 $0xFFFFC000  }
0x62: {  	_ =	swait.ge [sflag:s22], $0x4000  }
0x63: {  	[sflag:s22] =	ssyncset.done $0x0  }
0x64: {  	[sflag:s22] =	ssyncadd.s32 $0xFFFFC000  }
0x65: {  	[spmem:s1] =	stream.indirect.scatter.add.f32 [tilespmem:s21], [sflag:$0x5], $0x80, s23, s17, $0xb8;
	[tilespmem:$0x1C200] =	vst v63  }
0x66: {  	_ =	swait.ge [sflag:s14], $0x4000  }
0x67: {  	s24 =	sadd.s32 $0x1, s24;
	[sflag:s14] =	ssyncset.done $0x0  }
0x68: {  	p0 =	sne.s32 s24, s10;
	[sflag:s14] =	ssyncadd.s32 $0xFFFFC000  }
.Ltmp1:
0x69: {  	[bflag:$0x0] =	sbarrier.arrive $0xFFFF;
	(pc) =	sbr.rel @p0 .LBB2_1-.Ltmp1, $4  }
0x6a: {  	[hbm:s9], [sflag:s6] =	dma.local [spmem:s13], $0x2800  }
0x6b: {  	_ =	swait.ge [sflag:s14], $0x2800  }
0x6c: {  	[sflag:s14] =	ssyncset.done $0x0  }
0x6d: {  	[sflag:s14] =	ssyncadd.s32 $0xFFFFD800  }
0x6e: {  	_ =	sfence.sel $0x180000  }
0x6f: {  	[bflag:$0x0] =	sbarrier.arrive $0xFFFF  }
0x70: {  	p0 =	sne.s32 s2, $0x0;
	_ =	strace $0x90000047  }
0x71: {  	s0 =	sadd.s32 @!p0 $0x100000, s0;
	[bflag:$0x2] =	sbarrier.arrive $0xFFFF  }
0x72: {  	[sflag:s0] =	ssyncadd.tile.s32 @!p0 $0x1;
	_ =	shalt  }
.Lfunc_end2:
_tile_overlayer_lowered:
.L_overlay_start_2:
0x73: {  	(tag) =	ssettag $0x2  }
0x74: {  	s0 =	rddreg [dreg:$0x0];
	s2 =	stileid.u32  }
0x75: {  	s1 =	rddreg [dreg:$0x1];
	p0 =	sne.s32 s2, $0x0  }
0x76: {  	s3 =	rddreg [dreg:$0x2];
	[bflag:$0x3] =	sbarrier.arrive $0xFFFF;
	s2 =	simm.s32 @!p0 $0x1C05  }
0x77: {  	[timem:s3], [sflag:s2] =	dma.local @!p0 [hbm:s0], s1  }
0x78: {  	s0 =	simm.s32 @!p0 $0x5  }
0x79: {  	_ =	swait.ge @!p0 [sflag:s0], s1  }
0x7a: {  	s1 =	ssub.s32 @!p0 $0x0, s1;
	[sflag:s0] =	ssyncset.done @!p0 $0x0  }
0x7b: {  	[sflag:s0] =	ssyncadd.s32 @!p0 s1  }
0x7c: {  	[bflag:$0x3] =	sbarrier.arrive $0xFFFF  }
0x7d: {  	_ =	shalt  }

// kernel: kernel.13.cloned.1.call-start
scs
__scs_entry_jumppad:
0x0: {  	(pc) =	sbr.rel $0x88, $3  }
0x1: {  	(tag) =	ssettag $0x0;
	lr =	simm.s32 $0x1  }
0x2: {  	[smem:$0x3F98] =	sst lr;
	_ =	strace $0xD0000000  }
0x3: {  	_ = 	snop  }
0x4: {  	_ = 	snop  }
0x5: {  	_ = 	snop  }
0x6: {  	_ = 	snop  }
0x7: {  	_ = 	snop  }
__scs_overlays_trampoline_lowered:
0x8: {  	[smem:$0x3FA7] =	sst s0  }
0x9: {  	[smem:$0x3FA8] =	sst s1  }
0xa: {  	[smem:$0x3FA9] =	sst s2  }
0xb: {  	[smem:$0x3FAA] =	sst s3  }
0xc: {  	[smem:$0x3FAB] =	sst s4  }
0xd: {  	[smem:$0x3FAC] =	sst s5  }
0xe: {  	[smem:$0x3FAD] =	sst s6  }
0xf: {  	[smem:$0x3FAE] =	sst s7  }
0x10: {  	[smem:$0x3FAF] =	sst s8  }
0x11: {  	[smem:$0x3FB0] =	sst s9;
	s0 =	simm.s32 @!p0 $0x0  }
0x12: {  	s1 =	sld [smem:$0x3F96];
	s0 =	simm.s32 @p0 $0x1  }
0x13: {  	[smem:$0x3FB1] =	sst s0;
	s0 =	simm.s32 @!p1 $0x0  }
0x14: {  	s2 =	sld [smem:$0x3F95];
	s0 =	simm.s32 @p1 $0x1  }
0x15: {  	[smem:$0x3FB2] =	sst s0;
	s0 =	simm.s32 @!p2 $0x0  }
0x16: {  	s3 =	sld [smem:$0x3FDB];
	s0 =	simm.s32 @p2 $0x1  }
0x17: {  	s4 =	simm.s32 $0x1BF5;
	[smem:$0x3FB4] =	sst s0  }
0x18: {  	s0 =	sld [smem:$0x3F97];
	_ =	swait.ge [sflag:s4], $0x0  }
0x19: {  	s7 =	sld [smem:$0x3F98]  }
0x1a: {  	s8 =	sadd.s32 $0xFFFFE003, lr  }
0x1b: {  	s9 =	sadd.s32 $0xFFFFFEF7, lr;
	s5 =	simm.s32 $0xFFFFFFFF;
	p2 =	slt.u32 s8, $0xFFFFF086  }
0x1c: {  	p1 =	slt.u32 s9, $0xF7A;
	s5 =	simm.s32 @!p2 $0x0  }
0x1d: {  	s5 =	simm.s32 @p1 $0x1;
	p0 =	seq.s32 s7, s2  }
0x1e: {  	s7 =	smul.u32 @!p0 $0xF7A, s2;
	p2 =	seq.s32 @!p0 s5, $0x0  }
0x1f: {  	s9 =	smul.u32 $0xF7A, s1;
	s8 =	simm.s32 @!p0 $0x1BF5;
	p2 =	por !p2, p0  }
0x20: {  	[sflag:s8] =	ssyncset.s32 @!p0 $0xFFFFF086;
	s6 =	sadd.s32 @!p0 s3, s7;
	s7 =	simm.s32 @!p0 $0x108  }
0x21: {  	s3 =	sadd.s32 s3, s9;
	s6 =	sadd.s32 @!p0 $0x88, s6;
	s7 =	simm.s32 @p2 $0x1082  }
0x22: {  	[simem:s7], [sflag:s8] =	dma.local @!p0 [hbm:s6], $0xF7A  }
0x23: {  	s9 =	sor.u32 $0xD0000000, s2;
	s6 =	simm.s32 $0x108;
	_ =	swait.ge @!p0 [sflag:s8], $0x0  }
0x24: {  	s3 =	sadd.s32 $0x88, s3;
	s6 =	simm.s32 @!p1 $0x1082;
	[sflag:s4] =	ssyncset.s32 $0xFFFFF086  }
0x25: {  	[simem:s6], [sflag:s4] =	dma.local [hbm:s3], $0xF7A  }
0x26: {  	[smem:$0x3F98] =	sst s1;
	(tag) =	ssettag s2;
	_ =	strace s9  }
0x27: {  	s1 =	sld [smem:$0x3FA8]  }
0x28: {  	s2 =	sld [smem:$0x3FA9]  }
0x29: {  	s4 =	sld [smem:$0x3FAB]  }
0x2a: {  	p0 =	seq.s32 s5, $0x0;
	s5 =	sld [smem:$0x3FAC]  }
0x2b: {  	s6 =	sld [smem:$0x3FAD]  }
0x2c: {  	s7 =	sld [smem:$0x3FAE]  }
0x2d: {  	s3 =	simm.s32 $0x108;
	s8 =	sld [smem:$0x3FAF]  }
0x2e: {  	s3 =	simm.s32 @!p0 $0x1082;
	s9 =	sld [smem:$0x3FB0]  }
0x2f: {  	lr =	sadd.s32 s0, s3;
	s0 =	sld [smem:$0x3FA7]  }
0x30: {  	s3 =	sld [smem:$0x3FAA]  }
0x31: {  	[smem:$0x3FB3] =	sst s10  }
0x32: {  	s10 =	sld [smem:$0x3FB1];
	_ =	sdelay $0x3  }
0x33: {  	p0 =	seq.s32 s10, $0x1;
	s10 =	sld [smem:$0x3FB3];
	_ =	sdelay $0x3  }
0x34: {  	[smem:$0x3FB3] =	sst s10  }
0x35: {  	s10 =	sld [smem:$0x3FB2];
	_ =	sdelay $0x3  }
0x36: {  	p1 =	seq.s32 s10, $0x1;
	s10 =	sld [smem:$0x3FB3];
	_ =	sdelay $0x3  }
0x37: {  	[smem:$0x3FB3] =	sst s10  }
0x38: {  	s10 =	sld [smem:$0x3FB4]  }
0x39: {  	_ = 	snop;
	(pc) =	sbr.ind lr, $3  }
0x3a: {  	_ = 	snop  }
0x3b: {  	_ = 	snop  }
0x3c: {  	p2 =	seq.s32 s10, $0x1;
	s10 =	sld [smem:$0x3FB3]  }
0x3d: {  	_ =	shalt  }
0x3e: {  	_ =	shalt  }
0x3f: {  	_ =	shalt  }
0x40: {  	_ =	shalt  }
0x41: {  	_ =	shalt  }
0x42: {  	_ =	shalt  }
0x43: {  	_ =	shalt  }
0x44: {  	_ =	shalt  }
0x45: {  	_ =	shalt  }
0x46: {  	_ =	shalt  }
0x47: {  	_ =	shalt  }
0x48: {  	_ =	shalt  }
0x49: {  	_ =	shalt  }
0x4a: {  	_ =	shalt  }
0x4b: {  	_ =	shalt  }
0x4c: {  	_ =	shalt  }
0x4d: {  	_ =	shalt  }
0x4e: {  	_ =	shalt  }
0x4f: {  	_ =	shalt  }
0x50: {  	_ =	shalt  }
0x51: {  	_ =	shalt  }
0x52: {  	_ =	shalt  }
0x53: {  	_ =	shalt  }
0x54: {  	_ =	shalt  }
0x55: {  	_ =	shalt  }
0x56: {  	_ =	shalt  }
0x57: {  	_ =	shalt  }
0x58: {  	_ =	shalt  }
0x59: {  	_ =	shalt  }
0x5a: {  	_ =	shalt  }
0x5b: {  	_ =	shalt  }
0x5c: {  	_ =	shalt  }
0x5d: {  	_ =	shalt  }
0x5e: {  	_ =	shalt  }
0x5f: {  	_ =	shalt  }
0x60: {  	_ =	shalt  }
0x61: {  	_ =	shalt  }
0x62: {  	_ =	shalt  }
0x63: {  	_ =	shalt  }
0x64: {  	_ =	shalt  }
0x65: {  	_ =	shalt  }
0x66: {  	_ =	shalt  }
0x67: {  	_ =	shalt  }
0x68: {  	_ =	shalt  }
0x69: {  	_ =	shalt  }
0x6a: {  	_ =	shalt  }
0x6b: {  	_ =	shalt  }
0x6c: {  	_ =	shalt  }
0x6d: {  	_ =	shalt  }
0x6e: {  	_ =	shalt  }
0x6f: {  	_ =	shalt  }
0x70: {  	_ =	shalt  }
0x71: {  	_ =	shalt  }
0x72: {  	_ =	shalt  }
0x73: {  	_ =	shalt  }
0x74: {  	_ =	shalt  }
0x75: {  	_ =	shalt  }
0x76: {  	_ =	shalt  }
0x77: {  	_ =	shalt  }
0x78: {  	_ =	shalt  }
0x79: {  	_ =	shalt  }
0x7a: {  	_ =	shalt  }
0x7b: {  	_ =	shalt  }
0x7c: {  	_ =	shalt  }
0x7d: {  	_ =	shalt  }
0x7e: {  	_ =	shalt  }
0x7f: {  	_ =	shalt  }
0x80: {  	_ =	shalt  }
0x81: {  	_ =	shalt  }
0x82: {  	_ =	shalt  }
0x83: {  	_ =	shalt  }
0x84: {  	_ =	shalt  }
0x85: {  	_ =	shalt  }
0x86: {  	_ =	shalt  }
0x87: {  	_ =	shalt  }
.Lfunc_end0:
.L_simem_size_0:
called_computation.1_lowered:
.L_overlay_start_0:
0x88: {  	s2 =	sld [smem:$0x3FD9]  }
0x89: {  	s3 =	sld [smem:$0x3FFE];
	_ =	sdelay $0x1  }
0x8a: {  	s1 =	srdreg.scid  }
0x8b: {  	s0 =	sand.u32 $0x1, s1  }
0x8c: {  	s16 =	sshll.u32 s0, $0xA;
	s2 =	sadd.s32 s3, s2  }
0x8d: {  	s2 =	sadd.s32 s2, s16  }
0x8e: {  	[smem:$0x3FBF] =	sst s2  }
0x8f: {  	_ = 	snop  }
0x90: {  	(tm) =	ssettm $0x1  }
0x91: {  	s17 =	sld [smem:$0x3FFB];
	_ =	sdelay $0x3  }
0x92: {  	_ =	strace s17  }
0x93: {  	s2 =	sld [smem:$0x3FFC];
	_ =	sdelay $0x3  }
0x94: {  	_ =	strace s2  }
0x95: {  	s2 =	sld [smem:$0x3FFD];
	_ =	sdelay $0x3  }
0x96: {  	_ =	strace s2  }
0x97: {  	_ =	strace $0x8FFFFFFF  }
0x98: {  	s18 =	sld [smem:$0x3FDB];
	_ =	sdelay $0x1  }
0x99: {  	s19 =	simm.s32 $_scs_section_size  }
0x9a: {  	s4 =	simm.s32 $_size__tile_overlayer_lowered;
	s5 =	simm.s32 $_tile_overlayer_lowered  }
0x9b: {  	s22 =	simm.s32 $0x1BFF;
	s21 =	sshll.u32 s5, $0x1;
	s2 =	sadd.s32 s19, s18  }
0x9c: {  	s6 =	simm.s32 $0x0;
	s20 =	sshll.u32 s4, $0x1;
	s4 =	sadd.s32 s21, s2  }
0x9d: {  	[timem:s6], [sflag:s22] =	dma.local [hbm:s4], s20  }
0x9e: {  	_ =	swait.ge [sflag:s22], s20  }
0x9f: {  	s3 =	ssub.s32 $0x0, s20;
	[sflag:s22] =	ssyncset.done $0x0  }
0xa0: {  	[sflag:s22] =	ssyncadd.s32 s3;
	_ =	sdelay $0x1  }
0xa1: {  	s23 =	simm.s32 $0x1B8B  }
0xa2: {  	_ =	swait.ge [sflag:s23], $0x1  }
0xa3: {  	[sflag:s23] =	ssyncset.done $0x0  }
0xa4: {  	s25 =	simm.s32 $0x1B8E;
	s24 =	sld [smem:$0x3FFE];
	[sflag:s23] =	ssyncadd.s32 $0xFFFFFFFF  }
0xa5: {  	s26 =	simm.s32 $execute0_lowered;
	[smem:$0x3FD2] =	sst s25  }
0xa6: {  	s4 =	sshll.u32 s26, $0x1;
	_ =	strace $0x80000049;
	[dreg:$0x1] =	wrdreg $0xFFFFFFFF  }
0xa7: {  	s28 =	simm.s32 $_size_execute0_lowered;
	s2 =	sadd.s32 s2, s4;
	[dreg:$0x0] =	wrdreg $0x0  }
0xa8: {  	s4 =	sshll.u32 s28, $0x1;
	[dreg:$0x2] =	wrdreg s2  }
0xa9: {  	[dreg:$0x3] =	wrdreg s4  }
0xaa: {  	[dreg:$0x4] =	wrdreg $0xC0  }
0xab: {  	_ =	task [dreg:s6], $0x5FFFF  }
0xac: {  	[dreg:$0x1] =	wrdreg $0xFFFFFFFF  }
0xad: {  	[dreg:$0x0] =	wrdreg $0x60  }
0xae: {  	[dreg:$0x2] =	wrdreg s24  }
0xaf: {  	[dreg:$0x3] =	wrdreg $0x82000  }
0xb0: {  	[dreg:$0x4] =	wrdreg $0x9  }
0xb1: {  	_ =	task.clear_ibuf [dreg:s6], $0x5FFFF;
	_ =	strace $0x90000049  }
0xb2: {  	s29 =	simm.s32 $0x9;
	_ =	strace $0x8000004B  }
0xb3: {  	_ =	swait.ge [sflag:s29], $0x1  }
0xb4: {  	[sflag:s29] =	ssyncadd.s32 $0xFFFFFFFF  }
0xb5: {  	_ =	strace $0x9000004B  }
0xb6: {  	_ =	sfence  }
0xb7: {  	s30 =	sld [smem:$0x0];
	_ =	sdelay $0x2  }
0xb8: {  	s31 =	sshll.u32 s1, $0xD;
	s1 =	sshrl.u32 s1, $0x2  }
0xb9: {  	s3 =	sand.u32 $0x4000, s31;
	s1 =	sadd.s32 s1, s30  }
0xba: {  	s0 =	sor.u32 s3, s0;
	s1 =	sshll.u32 s1, $0x11  }
0xbb: {  	s0 =	sor.u32 s1, s0  }
0xbc: {  	s0 =	sadd.s32 $0x8F2B, s0  }
0xbd: {  	[sflag:s0] =	ssyncadd.remote.s32 $0x1  }
0xbe: {  	_ =	sfence.sel $0xFFFF  }
0xbf: {  	[dreg:$0x0] =	wrdreg $0xFFFFFFFF;
	(pc) =	sbr.abs _section_cstart, $3  }
0xc0: {  	[dreg:$0x1] =	wrdreg $0xFFFFFFFF  }
0xc1: {  	_ =	task.clear_ibuf [dreg:s6], $0x2FFFF;
	_ =	strace $0x9FFFFFFF  }
0xc2: {  	(tm) =	ssettm $0x7FFFFFFF  }
0xc3: {  	_ =	shalt  }
tec
execute0_lowered:
.L_overlay_start_1:
0x0: {  	(tag) =	ssettag $0x1  }
0x1: {  	s6 =	rddreg [dreg:$0x0]  }
0x2: {  	s1 =	rddreg [dreg:$0x1]  }
0x3: {  	s0 =	rddreg [dreg:$0x2]  }
0x4: {  	s3 =	simm.s32 $0x0;
	s2 =	srdreg.scid;
	s16 =	simm.s32 $0x3  }
0x5: {  	s17 =	simm.s32 $0x80;
	s18 =	simm.s32 $0x200;
	s7 =	sand.u32 $0x1, s2  }
0x6: {  	s19 =	simm.s32 $0x1;
	s2 =	stileid.u32;
	s8 =	smul.u32 $0x140000, s7  }
0x7: {  	s20 =	simm.s32 $0x4;
	[smem:$0x7FF] =	sst s3;
	s9 =	smul.u32 $0x14000, s2  }
0x8: {  	s4 =	sadd.s32 $0x18000, s6;
	s12 =	sadd.s32 $0x4000, s6;
	s22 =	smul.u32 $0x50000, s2  }
0x9: {  	s5 =	sadd.s32 $0x40000, s6;
	_ =	strace $0x8000004A;
	s24 =	smul.u32 $0x50000, s7  }
0xa: {  	s10 =	sshll.u32 s7, $0x4;
	s11 =	ssub.s32 $0x2, s7;
	s26 =	smul.u32 $0x5000, s2  }
0xb: {  	s28 =	sshll.u32 s2, $0x6;
	s21 =	sor.u32 s2, s10;
	s23 =	sshrl.u32 s11, $0x1  }
0xc: {  	s8 =	sadd.s32 s9, s8;
	s9 =	smul.u32 $0x5000, s21;
	s11 =	ssub.s32 s11, s23  }
0xd: {  	s25 =	sshrl.u32 s22, $0x2;
	s30 =	sadd.s32 s26, s24;
	s21 =	simm.s32 $0x4200  }
0xe: {  	s22 =	simm.s32 $0x2;
	s23 =	simm.s32 $0x180;
	s24 =	simm.s32 $0x0  }
0xf: {  	s8 =	sshrl.u32 s8, $0x3;
	s14 =	sadd.s32 s25, s1;
	s10 =	sor.u32 $0x300, s30  }
0x10: {  	s15 =	sor.u32 $0x200, s30;
	s13 =	sadd.s32 s8, s6;
	s29 =	sshrl.u32 s9, $0x3  }
0x11: {  	s6 =	sor.u32 $0x1C05, s28;
	s31 =	sshrl.u32 s10, $0x3;
	s15 =	sshrl.u32 s15, $0x3  }
0x12: {  	s10 =	smax.u32 s11, $0x1;
	s7 =	sadd.s32 s12, s29;
	s9 =	sadd.s32 $0x42800, s13  }
0x13: {  	s11 =	sadd.s32 s31, s12;
	s12 =	sadd.s32 s15, s12;
	s13 =	sshrl.u32 s14, $0x3  }
0x14: {  	s14 =	simm.s32 $0x5;
	s15 =	simm.s32 $0x100;
	s8 =	sadd.s32 $0x20, s7  }
.LBB2_1:
0x15: {  	[spmem:s13], [sflag:s6] =	dma.local [hbm:s5], $0x2800  }
0x16: {  	_ =	swait.ge [sflag:s14], $0x2800  }
0x17: {  	[sflag:s14] =	ssyncset.done $0x0  }
0x18: {  	[sflag:s14] =	ssyncadd.s32 $0xFFFFD800  }
0x19: {  	[bflag:$0x0] =	sbarrier.arrive $0xFFFF  }
0x1a: {  	[tilespmem:s3], [sflag:$0x3] =	stream.linear.gather [hbm4b:s7+s3], $0x100, $0x38;
	[tilespmem:$0x1C200] =	vst v63  }
0x1b: {  	_ = 	snop  }
0x1c: {  	[tilespmem:s15], [sflag:$0x4] =	stream.linear.gather [hbm4b:s8+s3], $0x100, $0x38;
	[tilespmem:$0x1C200] =	vst v63  }
0x1d: {  	_ =	swait.ge [sflag:s16], $0x100  }
0x1e: {  	[sflag:s16] =	ssyncset.done $0x0  }
0x1f: {  	[sflag:s16] =	ssyncadd.s32 $0xFFFFFF00  }
0x20: {  	[tilespmem:s18], [sflag:$0x1] =	stream.indirect.gather [hbm4b:s4+s17], $0x80, s3, s17, $0xb8;
	[tilespmem:$0x1C200] =	vst v63  }
0x21: {  	_ =	swait.ge [sflag:s19], $0x4000  }
0x22: {  	[sflag:s19] =	ssyncset.done $0x0  }
0x23: {  	[sflag:s19] =	ssyncadd.s32 $0xFFFFC000  }
0x24: {  	_ =	swait.ge [sflag:s20], $0x100  }
0x25: {  	[sflag:s20] =	ssyncset.done $0x0  }
0x26: {  	[sflag:s20] =	ssyncadd.s32 $0xFFFFFF00  }
0x27: {  	[tilespmem:s21], [sflag:$0x2] =	stream.indirect.gather [hbm4b:s4+s17], $0x80, s15, s17, $0xb8;
	[tilespmem:$0x1C200] =	vst v63  }
0x28: {  	_ = 	snop  }
0x29: {  	[spmem:s1] =	stream.indirect.scatter.add.f32 [tilespmem:s18], [sflag:$0x5], $0x80, s17, s17, $0xb8;
	[tilespmem:$0x1C200] =	vst v63  }
0x2a: {  	_ =	swait.ge [sflag:s14], $0x4000  }
0x2b: {  	[sflag:s14] =	ssyncset.done $0x0  }
0x2c: {  	s25 =	sadd.s32 $0x0, s12;
	[sflag:s14] =	ssyncadd.s32 $0xFFFFC000  }
0x2d: {  	[tilespmem:s3], [sflag:$0x3] =	stream.linear.gather [hbm4b:s25+s3], $0x100, $0x38;
	[tilespmem:$0x1C200] =	vst v63  }
0x2e: {  	_ =	swait.ge [sflag:s22], $0x4000  }
0x2f: {  	[sflag:s22] =	ssyncset.done $0x0  }
0x30: {  	[sflag:s22] =	ssyncadd.s32 $0xFFFFC000  }
0x31: {  	_ =	swait.ge [sflag:s16], $0x100  }
0x32: {  	[sflag:s16] =	ssyncset.done $0x0  }
0x33: {  	[sflag:s16] =	ssyncadd.s32 $0xFFFFFF00  }
0x34: {  	[tilespmem:s18], [sflag:$0x1] =	stream.indirect.gather [hbm4b:s4+s17], $0x80, s3, s17, $0xb8;
	[tilespmem:$0x1C200] =	vst v63  }
0x35: {  	_ = 	snop  }
0x36: {  	[spmem:s1] =	stream.indirect.scatter.add.f32 [tilespmem:s21], [sflag:$0x5], $0x80, s23, s17, $0xb8;
	[tilespmem:$0x1C200] =	vst v63  }
0x37: {  	_ =	swait.ge [sflag:s14], $0x4000  }
0x38: {  	[sflag:s14] =	ssyncset.done $0x0  }
0x39: {  	s26 =	sadd.s32 $0x0, s11;
	s25 =	simm.s32 $0x40;
	[sflag:s14] =	ssyncadd.s32 $0xFFFFC000  }
.LBB2_2:
0x3a: {  	[tilespmem:s15], [sflag:$0x4] =	stream.linear.gather [hbm4b:s26+s3], $0x100, $0x38;
	[tilespmem:$0x1C200] =	vst v63  }
0x3b: {  	s26 =	smov.u32 s25  }
0x3c: {  	p0 =	sne.s32 s25, $0x980;
	s25 =	sadd.s32 $0x40, s25;
	_ =	swait.ge [sflag:s19], $0x4000  }
0x3d: {  	[sflag:s19] =	ssyncset.done $0x0  }
0x3e: {  	[sflag:s19] =	ssyncadd.s32 $0xFFFFC000  }
0x3f: {  	_ =	swait.ge [sflag:s20], $0x100  }
0x40: {  	[sflag:s20] =	ssyncset.done $0x0  }
0x41: {  	[sflag:s20] =	ssyncadd.s32 $0xFFFFFF00  }
0x42: {  	[tilespmem:s21], [sflag:$0x2] =	stream.indirect.gather [hbm4b:s4+s17], $0x80, s15, s17, $0xb8;
	[tilespmem:$0x1C200] =	vst v63  }
0x43: {  	_ = 	snop  }
0x44: {  	[spmem:s1] =	stream.indirect.scatter.add.f32 [tilespmem:s18], [sflag:$0x5], $0x80, s17, s17, $0xb8;
	[tilespmem:$0x1C200] =	vst v63  }
0x45: {  	_ =	swait.ge [sflag:s14], $0x4000  }
0x46: {  	[sflag:s14] =	ssyncset.done $0x0  }
0x47: {  	s28 =	sadd.s32 s26, s12;
	[sflag:s14] =	ssyncadd.s32 $0xFFFFC000  }
0x48: {  	[tilespmem:s3], [sflag:$0x3] =	stream.linear.gather [hbm4b:s28+s3], $0x100, $0x38;
	[tilespmem:$0x1C200] =	vst v63  }
0x49: {  	_ =	swait.ge [sflag:s22], $0x4000  }
0x4a: {  	[sflag:s22] =	ssyncset.done $0x0  }
0x4b: {  	[sflag:s22] =	ssyncadd.s32 $0xFFFFC000  }
0x4c: {  	_ =	swait.ge [sflag:s16], $0x100  }
0x4d: {  	[sflag:s16] =	ssyncset.done $0x0  }
0x4e: {  	[sflag:s16] =	ssyncadd.s32 $0xFFFFFF00  }
0x4f: {  	[tilespmem:s18], [sflag:$0x1] =	stream.indirect.gather [hbm4b:s4+s17], $0x80, s3, s17, $0xb8;
	[tilespmem:$0x1C200] =	vst v63  }
.Ltmp0:
0x50: {  	(pc) =	sbr.rel @p0 .LBB2_2-.Ltmp0, $4  }
0x51: {  	[spmem:s1] =	stream.indirect.scatter.add.f32 [tilespmem:s21], [sflag:$0x5], $0x80, s23, s17, $0xb8;
	[tilespmem:$0x1C200] =	vst v63  }
0x52: {  	_ =	swait.ge [sflag:s14], $0x4000  }
0x53: {  	[sflag:s14] =	ssyncset.done $0x0  }
0x54: {  	s26 =	sadd.s32 s26, s11;
	[sflag:s14] =	ssyncadd.s32 $0xFFFFC000  }
0x55: {  	[tilespmem:s15], [sflag:$0x4] =	stream.linear.gather [hbm4b:s26+s3], $0x100, $0x38;
	[tilespmem:$0x1C200] =	vst v63  }
0x56: {  	_ =	swait.ge [sflag:s19], $0x4000  }
0x57: {  	[sflag:s19] =	ssyncset.done $0x0  }
0x58: {  	[sflag:s19] =	ssyncadd.s32 $0xFFFFC000  }
0x59: {  	_ =	swait.ge [sflag:s20], $0x100  }
0x5a: {  	[sflag:s20] =	ssyncset.done $0x0  }
0x5b: {  	[sflag:s20] =	ssyncadd.s32 $0xFFFFFF00  }
0x5c: {  	[tilespmem:s21], [sflag:$0x2] =	stream.indirect.gather [hbm4b:s4+s17], $0x80, s15, s17, $0xb8;
	[tilespmem:$0x1C200] =	vst v63  }
0x5d: {  	_ = 	snop  }
0x5e: {  	[spmem:s1] =	stream.indirect.scatter.add.f32 [tilespmem:s18], [sflag:$0x5], $0x80, s17, s17, $0xb8;
	[tilespmem:$0x1C200] =	vst v63  }
0x5f: {  	_ =	swait.ge [sflag:s14], $0x4000  }
0x60: {  	[sflag:s14] =	ssyncset.done $0x0  }
0x61: {  	[sflag:s14] =	ssyncadd.s32 $0xFFFFC000  }
0x62: {  	_ =	swait.ge [sflag:s22], $0x4000  }
0x63: {  	[sflag:s22] =	ssyncset.done $0x0  }
0x64: {  	[sflag:s22] =	ssyncadd.s32 $0xFFFFC000  }
0x65: {  	[spmem:s1] =	stream.indirect.scatter.add.f32 [tilespmem:s21], [sflag:$0x5], $0x80, s23, s17, $0xb8;
	[tilespmem:$0x1C200] =	vst v63  }
0x66: {  	_ =	swait.ge [sflag:s14], $0x4000  }
0x67: {  	s24 =	sadd.s32 $0x1, s24;
	[sflag:s14] =	ssyncset.done $0x0  }
0x68: {  	p0 =	sne.s32 s24, s10;
	[sflag:s14] =	ssyncadd.s32 $0xFFFFC000  }
.Ltmp1:
0x69: {  	[bflag:$0x0] =	sbarrier.arrive $0xFFFF;
	(pc) =	sbr.rel @p0 .LBB2_1-.Ltmp1, $4  }
0x6a: {  	[hbm:s9], [sflag:s6] =	dma.local [spmem:s13], $0x2800  }
0x6b: {  	_ =	swait.ge [sflag:s14], $0x2800  }
0x6c: {  	[sflag:s14] =	ssyncset.done $0x0  }
0x6d: {  	[sflag:s14] =	ssyncadd.s32 $0xFFFFD800  }
0x6e: {  	_ =	sfence.sel $0x180000  }
0x6f: {  	[bflag:$0x0] =	sbarrier.arrive $0xFFFF  }
0x70: {  	p0 =	sne.s32 s2, $0x0;
	_ =	strace $0x9000004A  }
0x71: {  	s0 =	sadd.s32 @!p0 $0x100000, s0;
	[bflag:$0x2] =	sbarrier.arrive $0xFFFF  }
0x72: {  	[sflag:s0] =	ssyncadd.tile.s32 @!p0 $0x1;
	_ =	shalt  }
.Lfunc_end2:
_tile_overlayer_lowered:
.L_overlay_start_2:
0x73: {  	(tag) =	ssettag $0x2  }
0x74: {  	s0 =	rddreg [dreg:$0x0];
	s2 =	stileid.u32  }
0x75: {  	s1 =	rddreg [dreg:$0x1];
	p0 =	sne.s32 s2, $0x0  }
0x76: {  	s3 =	rddreg [dreg:$0x2];
	[bflag:$0x3] =	sbarrier.arrive $0xFFFF;
	s2 =	simm.s32 @!p0 $0x1C05  }
0x77: {  	[timem:s3], [sflag:s2] =	dma.local @!p0 [hbm:s0], s1  }
0x78: {  	s0 =	simm.s32 @!p0 $0x5  }
0x79: {  	_ =	swait.ge @!p0 [sflag:s0], s1  }
0x7a: {  	s1 =	ssub.s32 @!p0 $0x0, s1;
	[sflag:s0] =	ssyncset.done @!p0 $0x0  }
0x7b: {  	[sflag:s0] =	ssyncadd.s32 @!p0 s1  }
0x7c: {  	[bflag:$0x3] =	sbarrier.arrive $0xFFFF  }
0x7d: {  	_ =	shalt  }

// kernel: kernel.16.cloned.1.call-start
scs
__scs_entry_jumppad:
0x0: {  	(pc) =	sbr.rel $0x88, $3  }
0x1: {  	(tag) =	ssettag $0x0;
	lr =	simm.s32 $0x1  }
0x2: {  	[smem:$0x3F98] =	sst lr;
	_ =	strace $0xD0000000  }
0x3: {  	_ = 	snop  }
0x4: {  	_ = 	snop  }
0x5: {  	_ = 	snop  }
0x6: {  	_ = 	snop  }
0x7: {  	_ = 	snop  }
__scs_overlays_trampoline_lowered:
0x8: {  	[smem:$0x3FA7] =	sst s0  }
0x9: {  	[smem:$0x3FA8] =	sst s1  }
0xa: {  	[smem:$0x3FA9] =	sst s2  }
0xb: {  	[smem:$0x3FAA] =	sst s3  }
0xc: {  	[smem:$0x3FAB] =	sst s4  }
0xd: {  	[smem:$0x3FAC] =	sst s5  }
0xe: {  	[smem:$0x3FAD] =	sst s6  }
0xf: {  	[smem:$0x3FAE] =	sst s7  }
0x10: {  	[smem:$0x3FAF] =	sst s8  }
0x11: {  	[smem:$0x3FB0] =	sst s9;
	s0 =	simm.s32 @!p0 $0x0  }
0x12: {  	s1 =	sld [smem:$0x3F96];
	s0 =	simm.s32 @p0 $0x1  }
0x13: {  	[smem:$0x3FB1] =	sst s0;
	s0 =	simm.s32 @!p1 $0x0  }
0x14: {  	s2 =	sld [smem:$0x3F95];
	s0 =	simm.s32 @p1 $0x1  }
0x15: {  	[smem:$0x3FB2] =	sst s0;
	s0 =	simm.s32 @!p2 $0x0  }
0x16: {  	s3 =	sld [smem:$0x3FDB];
	s0 =	simm.s32 @p2 $0x1  }
0x17: {  	s4 =	simm.s32 $0x1BF5;
	[smem:$0x3FB4] =	sst s0  }
0x18: {  	s0 =	sld [smem:$0x3F97];
	_ =	swait.ge [sflag:s4], $0x0  }
0x19: {  	s7 =	sld [smem:$0x3F98]  }
0x1a: {  	s8 =	sadd.s32 $0xFFFFE003, lr  }
0x1b: {  	s9 =	sadd.s32 $0xFFFFFEF7, lr;
	s5 =	simm.s32 $0xFFFFFFFF;
	p2 =	slt.u32 s8, $0xFFFFF086  }
0x1c: {  	p1 =	slt.u32 s9, $0xF7A;
	s5 =	simm.s32 @!p2 $0x0  }
0x1d: {  	s5 =	simm.s32 @p1 $0x1;
	p0 =	seq.s32 s7, s2  }
0x1e: {  	s7 =	smul.u32 @!p0 $0xF7A, s2;
	p2 =	seq.s32 @!p0 s5, $0x0  }
0x1f: {  	s9 =	smul.u32 $0xF7A, s1;
	s8 =	simm.s32 @!p0 $0x1BF5;
	p2 =	por !p2, p0  }
0x20: {  	[sflag:s8] =	ssyncset.s32 @!p0 $0xFFFFF086;
	s6 =	sadd.s32 @!p0 s3, s7;
	s7 =	simm.s32 @!p0 $0x108  }
0x21: {  	s3 =	sadd.s32 s3, s9;
	s6 =	sadd.s32 @!p0 $0x88, s6;
	s7 =	simm.s32 @p2 $0x1082  }
0x22: {  	[simem:s7], [sflag:s8] =	dma.local @!p0 [hbm:s6], $0xF7A  }
0x23: {  	s9 =	sor.u32 $0xD0000000, s2;
	s6 =	simm.s32 $0x108;
	_ =	swait.ge @!p0 [sflag:s8], $0x0  }
0x24: {  	s3 =	sadd.s32 $0x88, s3;
	s6 =	simm.s32 @!p1 $0x1082;
	[sflag:s4] =	ssyncset.s32 $0xFFFFF086  }
0x25: {  	[simem:s6], [sflag:s4] =	dma.local [hbm:s3], $0xF7A  }
0x26: {  	[smem:$0x3F98] =	sst s1;
	(tag) =	ssettag s2;
	_ =	strace s9  }
0x27: {  	s1 =	sld [smem:$0x3FA8]  }
0x28: {  	s2 =	sld [smem:$0x3FA9]  }
0x29: {  	s4 =	sld [smem:$0x3FAB]  }
0x2a: {  	p0 =	seq.s32 s5, $0x0;
	s5 =	sld [smem:$0x3FAC]  }
0x2b: {  	s6 =	sld [smem:$0x3FAD]  }
0x2c: {  	s7 =	sld [smem:$0x3FAE]  }
0x2d: {  	s3 =	simm.s32 $0x108;
	s8 =	sld [smem:$0x3FAF]  }
0x2e: {  	s3 =	simm.s32 @!p0 $0x1082;
	s9 =	sld [smem:$0x3FB0]  }
0x2f: {  	lr =	sadd.s32 s0, s3;
	s0 =	sld [smem:$0x3FA7]  }
0x30: {  	s3 =	sld [smem:$0x3FAA]  }
0x31: {  	[smem:$0x3FB3] =	sst s10  }
0x32: {  	s10 =	sld [smem:$0x3FB1];
	_ =	sdelay $0x3  }
0x33: {  	p0 =	seq.s32 s10, $0x1;
	s10 =	sld [smem:$0x3FB3];
	_ =	sdelay $0x3  }
0x34: {  	[smem:$0x3FB3] =	sst s10  }
0x35: {  	s10 =	sld [smem:$0x3FB2];
	_ =	sdelay $0x3  }
0x36: {  	p1 =	seq.s32 s10, $0x1;
	s10 =	sld [smem:$0x3FB3];
	_ =	sdelay $0x3  }
0x37: {  	[smem:$0x3FB3] =	sst s10  }
0x38: {  	s10 =	sld [smem:$0x3FB4]  }
0x39: {  	_ = 	snop;
	(pc) =	sbr.ind lr, $3  }
0x3a: {  	_ = 	snop  }
0x3b: {  	_ = 	snop  }
0x3c: {  	p2 =	seq.s32 s10, $0x1;
	s10 =	sld [smem:$0x3FB3]  }
0x3d: {  	_ =	shalt  }
0x3e: {  	_ =	shalt  }
0x3f: {  	_ =	shalt  }
0x40: {  	_ =	shalt  }
0x41: {  	_ =	shalt  }
0x42: {  	_ =	shalt  }
0x43: {  	_ =	shalt  }
0x44: {  	_ =	shalt  }
0x45: {  	_ =	shalt  }
0x46: {  	_ =	shalt  }
0x47: {  	_ =	shalt  }
0x48: {  	_ =	shalt  }
0x49: {  	_ =	shalt  }
0x4a: {  	_ =	shalt  }
0x4b: {  	_ =	shalt  }
0x4c: {  	_ =	shalt  }
0x4d: {  	_ =	shalt  }
0x4e: {  	_ =	shalt  }
0x4f: {  	_ =	shalt  }
0x50: {  	_ =	shalt  }
0x51: {  	_ =	shalt  }
0x52: {  	_ =	shalt  }
0x53: {  	_ =	shalt  }
0x54: {  	_ =	shalt  }
0x55: {  	_ =	shalt  }
0x56: {  	_ =	shalt  }
0x57: {  	_ =	shalt  }
0x58: {  	_ =	shalt  }
0x59: {  	_ =	shalt  }
0x5a: {  	_ =	shalt  }
0x5b: {  	_ =	shalt  }
0x5c: {  	_ =	shalt  }
0x5d: {  	_ =	shalt  }
0x5e: {  	_ =	shalt  }
0x5f: {  	_ =	shalt  }
0x60: {  	_ =	shalt  }
0x61: {  	_ =	shalt  }
0x62: {  	_ =	shalt  }
0x63: {  	_ =	shalt  }
0x64: {  	_ =	shalt  }
0x65: {  	_ =	shalt  }
0x66: {  	_ =	shalt  }
0x67: {  	_ =	shalt  }
0x68: {  	_ =	shalt  }
0x69: {  	_ =	shalt  }
0x6a: {  	_ =	shalt  }
0x6b: {  	_ =	shalt  }
0x6c: {  	_ =	shalt  }
0x6d: {  	_ =	shalt  }
0x6e: {  	_ =	shalt  }
0x6f: {  	_ =	shalt  }
0x70: {  	_ =	shalt  }
0x71: {  	_ =	shalt  }
0x72: {  	_ =	shalt  }
0x73: {  	_ =	shalt  }
0x74: {  	_ =	shalt  }
0x75: {  	_ =	shalt  }
0x76: {  	_ =	shalt  }
0x77: {  	_ =	shalt  }
0x78: {  	_ =	shalt  }
0x79: {  	_ =	shalt  }
0x7a: {  	_ =	shalt  }
0x7b: {  	_ =	shalt  }
0x7c: {  	_ =	shalt  }
0x7d: {  	_ =	shalt  }
0x7e: {  	_ =	shalt  }
0x7f: {  	_ =	shalt  }
0x80: {  	_ =	shalt  }
0x81: {  	_ =	shalt  }
0x82: {  	_ =	shalt  }
0x83: {  	_ =	shalt  }
0x84: {  	_ =	shalt  }
0x85: {  	_ =	shalt  }
0x86: {  	_ =	shalt  }
0x87: {  	_ =	shalt  }
.Lfunc_end0:
.L_simem_size_0:
called_computation.2_lowered:
.L_overlay_start_0:
0x88: {  	s2 =	sld [smem:$0x3FD9]  }
0x89: {  	s3 =	sld [smem:$0x3FFE];
	_ =	sdelay $0x1  }
0x8a: {  	s1 =	srdreg.scid  }
0x8b: {  	s0 =	sand.u32 $0x1, s1  }
0x8c: {  	s16 =	sshll.u32 s0, $0xA;
	s2 =	sadd.s32 s3, s2  }
0x8d: {  	s2 =	sadd.s32 s2, s16  }
0x8e: {  	[smem:$0x3FBF] =	sst s2  }
0x8f: {  	_ = 	snop  }
0x90: {  	(tm) =	ssettm $0x1  }
0x91: {  	s17 =	sld [smem:$0x3FFB];
	_ =	sdelay $0x3  }
0x92: {  	_ =	strace s17  }
0x93: {  	s2 =	sld [smem:$0x3FFC];
	_ =	sdelay $0x3  }
0x94: {  	_ =	strace s2  }
0x95: {  	s2 =	sld [smem:$0x3FFD];
	_ =	sdelay $0x3  }
0x96: {  	_ =	strace s2  }
0x97: {  	_ =	strace $0x8FFFFFFF  }
0x98: {  	s18 =	sld [smem:$0x3FDB];
	_ =	sdelay $0x1  }
0x99: {  	s19 =	simm.s32 $_scs_section_size  }
0x9a: {  	s4 =	simm.s32 $_size__tile_overlayer_lowered;
	s5 =	simm.s32 $_tile_overlayer_lowered  }
0x9b: {  	s22 =	simm.s32 $0x1BFF;
	s21 =	sshll.u32 s5, $0x1;
	s2 =	sadd.s32 s19, s18  }
0x9c: {  	s6 =	simm.s32 $0x0;
	s20 =	sshll.u32 s4, $0x1;
	s4 =	sadd.s32 s21, s2  }
0x9d: {  	[timem:s6], [sflag:s22] =	dma.local [hbm:s4], s20  }
0x9e: {  	_ =	swait.ge [sflag:s22], s20  }
0x9f: {  	s3 =	ssub.s32 $0x0, s20;
	[sflag:s22] =	ssyncset.done $0x0  }
0xa0: {  	[sflag:s22] =	ssyncadd.s32 s3;
	_ =	sdelay $0x1  }
0xa1: {  	s23 =	simm.s32 $0x1B8B  }
0xa2: {  	_ =	swait.ge [sflag:s23], $0x1  }
0xa3: {  	[sflag:s23] =	ssyncset.done $0x0  }
0xa4: {  	s25 =	simm.s32 $0x1B8E;
	s24 =	sld [smem:$0x3FFE];
	[sflag:s23] =	ssyncadd.s32 $0xFFFFFFFF  }
0xa5: {  	s26 =	simm.s32 $execute0_lowered;
	[smem:$0x3FD2] =	sst s25  }
0xa6: {  	s4 =	sshll.u32 s26, $0x1;
	_ =	strace $0x8000004C;
	[dreg:$0x1] =	wrdreg $0xFFFFFFFF  }
0xa7: {  	s28 =	simm.s32 $_size_execute0_lowered;
	s2 =	sadd.s32 s2, s4;
	[dreg:$0x0] =	wrdreg $0x0  }
0xa8: {  	s4 =	sshll.u32 s28, $0x1;
	[dreg:$0x2] =	wrdreg s2  }
0xa9: {  	[dreg:$0x3] =	wrdreg s4  }
0xaa: {  	[dreg:$0x4] =	wrdreg $0xC0  }
0xab: {  	_ =	task [dreg:s6], $0x5FFFF  }
0xac: {  	[dreg:$0x1] =	wrdreg $0xFFFFFFFF  }
0xad: {  	[dreg:$0x0] =	wrdreg $0x60  }
0xae: {  	[dreg:$0x2] =	wrdreg s24  }
0xaf: {  	[dreg:$0x3] =	wrdreg $0x82000  }
0xb0: {  	[dreg:$0x4] =	wrdreg $0x9  }
0xb1: {  	_ =	task.clear_ibuf [dreg:s6], $0x5FFFF;
	_ =	strace $0x9000004C  }
0xb2: {  	s29 =	simm.s32 $0x9;
	_ =	strace $0x8000004E  }
0xb3: {  	_ =	swait.ge [sflag:s29], $0x1  }
0xb4: {  	[sflag:s29] =	ssyncadd.s32 $0xFFFFFFFF  }
0xb5: {  	_ =	strace $0x9000004E  }
0xb6: {  	_ =	sfence  }
0xb7: {  	s30 =	sld [smem:$0x0];
	_ =	sdelay $0x2  }
0xb8: {  	s31 =	sshll.u32 s1, $0xD;
	s1 =	sshrl.u32 s1, $0x2  }
0xb9: {  	s3 =	sand.u32 $0x4000, s31;
	s1 =	sadd.s32 s1, s30  }
0xba: {  	s0 =	sor.u32 s3, s0;
	s1 =	sshll.u32 s1, $0x11  }
0xbb: {  	s0 =	sor.u32 s1, s0  }
0xbc: {  	s0 =	sadd.s32 $0x8F2B, s0  }
0xbd: {  	[sflag:s0] =	ssyncadd.remote.s32 $0x1  }
0xbe: {  	_ =	sfence.sel $0xFFFF  }
0xbf: {  	[dreg:$0x0] =	wrdreg $0xFFFFFFFF;
	(pc) =	sbr.abs _section_cstart, $3  }
0xc0: {  	[dreg:$0x1] =	wrdreg $0xFFFFFFFF  }
0xc1: {  	_ =	task.clear_ibuf [dreg:s6], $0x2FFFF;
	_ =	strace $0x9FFFFFFF  }
0xc2: {  	(tm) =	ssettm $0x7FFFFFFF  }
0xc3: {  	_ =	shalt  }
tec
execute0_lowered:
.L_overlay_start_1:
0x0: {  	(tag) =	ssettag $0x1  }
0x1: {  	s6 =	rddreg [dreg:$0x0]  }
0x2: {  	s1 =	rddreg [dreg:$0x1]  }
0x3: {  	s0 =	rddreg [dreg:$0x2]  }
0x4: {  	s3 =	simm.s32 $0x0;
	s2 =	srdreg.scid;
	s16 =	simm.s32 $0x3  }
0x5: {  	s17 =	simm.s32 $0x80;
	s18 =	simm.s32 $0x200;
	s7 =	sand.u32 $0x1, s2  }
0x6: {  	s19 =	simm.s32 $0x1;
	s2 =	stileid.u32;
	s8 =	smul.u32 $0x140000, s7  }
0x7: {  	s20 =	simm.s32 $0x4;
	[smem:$0x7FF] =	sst s3;
	s9 =	smul.u32 $0x14000, s2  }
0x8: {  	s4 =	sadd.s32 $0x18000, s6;
	s12 =	sadd.s32 $0x4000, s6;
	s22 =	smul.u32 $0x50000, s2  }
0x9: {  	s5 =	sadd.s32 $0x40000, s6;
	_ =	strace $0x8000004D;
	s24 =	smul.u32 $0x50000, s7  }
0xa: {  	s10 =	sshll.u32 s7, $0x4;
	s11 =	ssub.s32 $0x2, s7;
	s26 =	smul.u32 $0x5000, s2  }
0xb: {  	s28 =	sshll.u32 s2, $0x6;
	s21 =	sor.u32 s2, s10;
	s23 =	sshrl.u32 s11, $0x1  }
0xc: {  	s8 =	sadd.s32 s9, s8;
	s9 =	smul.u32 $0x5000, s21;
	s11 =	ssub.s32 s11, s23  }
0xd: {  	s25 =	sshrl.u32 s22, $0x2;
	s30 =	sadd.s32 s26, s24;
	s21 =	simm.s32 $0x4200  }
0xe: {  	s22 =	simm.s32 $0x2;
	s23 =	simm.s32 $0x180;
	s24 =	simm.s32 $0x0  }
0xf: {  	s8 =	sshrl.u32 s8, $0x3;
	s14 =	sadd.s32 s25, s1;
	s10 =	sor.u32 $0x300, s30  }
0x10: {  	s15 =	sor.u32 $0x200, s30;
	s13 =	sadd.s32 s8, s6;
	s29 =	sshrl.u32 s9, $0x3  }
0x11: {  	s6 =	sor.u32 $0x1C05, s28;
	s31 =	sshrl.u32 s10, $0x3;
	s15 =	sshrl.u32 s15, $0x3  }
0x12: {  	s10 =	smax.u32 s11, $0x1;
	s7 =	sadd.s32 s12, s29;
	s9 =	sadd.s32 $0x42800, s13  }
0x13: {  	s11 =	sadd.s32 s31, s12;
	s12 =	sadd.s32 s15, s12;
	s13 =	sshrl.u32 s14, $0x3  }
0x14: {  	s14 =	simm.s32 $0x5;
	s15 =	simm.s32 $0x100;
	s8 =	sadd.s32 $0x20, s7  }
.LBB2_1:
0x15: {  	[spmem:s13], [sflag:s6] =	dma.local [hbm:s5], $0x2800  }
0x16: {  	_ =	swait.ge [sflag:s14], $0x2800  }
0x17: {  	[sflag:s14] =	ssyncset.done $0x0  }
0x18: {  	[sflag:s14] =	ssyncadd.s32 $0xFFFFD800  }
0x19: {  	[bflag:$0x0] =	sbarrier.arrive $0xFFFF  }
0x1a: {  	[tilespmem:s3], [sflag:$0x3] =	stream.linear.gather [hbm4b:s7+s3], $0x100, $0x38;
	[tilespmem:$0x1C200] =	vst v63  }
0x1b: {  	_ = 	snop  }
0x1c: {  	[tilespmem:s15], [sflag:$0x4] =	stream.linear.gather [hbm4b:s8+s3], $0x100, $0x38;
	[tilespmem:$0x1C200] =	vst v63  }
0x1d: {  	_ =	swait.ge [sflag:s16], $0x100  }
0x1e: {  	[sflag:s16] =	ssyncset.done $0x0  }
0x1f: {  	[sflag:s16] =	ssyncadd.s32 $0xFFFFFF00  }
0x20: {  	[tilespmem:s18], [sflag:$0x1] =	stream.indirect.gather [hbm4b:s4+s17], $0x80, s3, s17, $0xb8;
	[tilespmem:$0x1C200] =	vst v63  }
0x21: {  	_ =	swait.ge [sflag:s19], $0x4000  }
0x22: {  	[sflag:s19] =	ssyncset.done $0x0  }
0x23: {  	[sflag:s19] =	ssyncadd.s32 $0xFFFFC000  }
0x24: {  	_ =	swait.ge [sflag:s20], $0x100  }
0x25: {  	[sflag:s20] =	ssyncset.done $0x0  }
0x26: {  	[sflag:s20] =	ssyncadd.s32 $0xFFFFFF00  }
0x27: {  	[tilespmem:s21], [sflag:$0x2] =	stream.indirect.gather [hbm4b:s4+s17], $0x80, s15, s17, $0xb8;
	[tilespmem:$0x1C200] =	vst v63  }
0x28: {  	_ = 	snop  }
0x29: {  	[spmem:s1] =	stream.indirect.scatter.add.f32 [tilespmem:s18], [sflag:$0x5], $0x80, s17, s17, $0xb8;
	[tilespmem:$0x1C200] =	vst v63  }
0x2a: {  	_ =	swait.ge [sflag:s14], $0x4000  }
0x2b: {  	[sflag:s14] =	ssyncset.done $0x0  }
0x2c: {  	s25 =	sadd.s32 $0x0, s12;
	[sflag:s14] =	ssyncadd.s32 $0xFFFFC000  }
0x2d: {  	[tilespmem:s3], [sflag:$0x3] =	stream.linear.gather [hbm4b:s25+s3], $0x100, $0x38;
	[tilespmem:$0x1C200] =	vst v63  }
0x2e: {  	_ =	swait.ge [sflag:s22], $0x4000  }
0x2f: {  	[sflag:s22] =	ssyncset.done $0x0  }
0x30: {  	[sflag:s22] =	ssyncadd.s32 $0xFFFFC000  }
0x31: {  	_ =	swait.ge [sflag:s16], $0x100  }
0x32: {  	[sflag:s16] =	ssyncset.done $0x0  }
0x33: {  	[sflag:s16] =	ssyncadd.s32 $0xFFFFFF00  }
0x34: {  	[tilespmem:s18], [sflag:$0x1] =	stream.indirect.gather [hbm4b:s4+s17], $0x80, s3, s17, $0xb8;
	[tilespmem:$0x1C200] =	vst v63  }
0x35: {  	_ = 	snop  }
0x36: {  	[spmem:s1] =	stream.indirect.scatter.add.f32 [tilespmem:s21], [sflag:$0x5], $0x80, s23, s17, $0xb8;
	[tilespmem:$0x1C200] =	vst v63  }
0x37: {  	_ =	swait.ge [sflag:s14], $0x4000  }
0x38: {  	[sflag:s14] =	ssyncset.done $0x0  }
0x39: {  	s26 =	sadd.s32 $0x0, s11;
	s25 =	simm.s32 $0x40;
	[sflag:s14] =	ssyncadd.s32 $0xFFFFC000  }
.LBB2_2:
0x3a: {  	[tilespmem:s15], [sflag:$0x4] =	stream.linear.gather [hbm4b:s26+s3], $0x100, $0x38;
	[tilespmem:$0x1C200] =	vst v63  }
0x3b: {  	s26 =	smov.u32 s25  }
0x3c: {  	p0 =	sne.s32 s25, $0x980;
	s25 =	sadd.s32 $0x40, s25;
	_ =	swait.ge [sflag:s19], $0x4000  }
0x3d: {  	[sflag:s19] =	ssyncset.done $0x0  }
0x3e: {  	[sflag:s19] =	ssyncadd.s32 $0xFFFFC000  }
0x3f: {  	_ =	swait.ge [sflag:s20], $0x100  }
0x40: {  	[sflag:s20] =	ssyncset.done $0x0  }
0x41: {  	[sflag:s20] =	ssyncadd.s32 $0xFFFFFF00  }
0x42: {  	[tilespmem:s21], [sflag:$0x2] =	stream.indirect.gather [hbm4b:s4+s17], $0x80, s15, s17, $0xb8;
	[tilespmem:$0x1C200] =	vst v63  }
0x43: {  	_ = 	snop  }
0x44: {  	[spmem:s1] =	stream.indirect.scatter.add.f32 [tilespmem:s18], [sflag:$0x5], $0x80, s17, s17, $0xb8;
	[tilespmem:$0x1C200] =	vst v63  }
0x45: {  	_ =	swait.ge [sflag:s14], $0x4000  }
0x46: {  	[sflag:s14] =	ssyncset.done $0x0  }
0x47: {  	s28 =	sadd.s32 s26, s12;
	[sflag:s14] =	ssyncadd.s32 $0xFFFFC000  }
0x48: {  	[tilespmem:s3], [sflag:$0x3] =	stream.linear.gather [hbm4b:s28+s3], $0x100, $0x38;
	[tilespmem:$0x1C200] =	vst v63  }
0x49: {  	_ =	swait.ge [sflag:s22], $0x4000  }
0x4a: {  	[sflag:s22] =	ssyncset.done $0x0  }
0x4b: {  	[sflag:s22] =	ssyncadd.s32 $0xFFFFC000  }
0x4c: {  	_ =	swait.ge [sflag:s16], $0x100  }
0x4d: {  	[sflag:s16] =	ssyncset.done $0x0  }
0x4e: {  	[sflag:s16] =	ssyncadd.s32 $0xFFFFFF00  }
0x4f: {  	[tilespmem:s18], [sflag:$0x1] =	stream.indirect.gather [hbm4b:s4+s17], $0x80, s3, s17, $0xb8;
	[tilespmem:$0x1C200] =	vst v63  }
.Ltmp0:
0x50: {  	(pc) =	sbr.rel @p0 .LBB2_2-.Ltmp0, $4  }
0x51: {  	[spmem:s1] =	stream.indirect.scatter.add.f32 [tilespmem:s21], [sflag:$0x5], $0x80, s23, s17, $0xb8;
	[tilespmem:$0x1C200] =	vst v63  }
0x52: {  	_ =	swait.ge [sflag:s14], $0x4000  }
0x53: {  	[sflag:s14] =	ssyncset.done $0x0  }
0x54: {  	s26 =	sadd.s32 s26, s11;
	[sflag:s14] =	ssyncadd.s32 $0xFFFFC000  }
0x55: {  	[tilespmem:s15], [sflag:$0x4] =	stream.linear.gather [hbm4b:s26+s3], $0x100, $0x38;
	[tilespmem:$0x1C200] =	vst v63  }
0x56: {  	_ =	swait.ge [sflag:s19], $0x4000  }
0x57: {  	[sflag:s19] =	ssyncset.done $0x0  }
0x58: {  	[sflag:s19] =	ssyncadd.s32 $0xFFFFC000  }
0x59: {  	_ =	swait.ge [sflag:s20], $0x100  }
0x5a: {  	[sflag:s20] =	ssyncset.done $0x0  }
0x5b: {  	[sflag:s20] =	ssyncadd.s32 $0xFFFFFF00  }
0x5c: {  	[tilespmem:s21], [sflag:$0x2] =	stream.indirect.gather [hbm4b:s4+s17], $0x80, s15, s17, $0xb8;
	[tilespmem:$0x1C200] =	vst v63  }
0x5d: {  	_ = 	snop  }
0x5e: {  	[spmem:s1] =	stream.indirect.scatter.add.f32 [tilespmem:s18], [sflag:$0x5], $0x80, s17, s17, $0xb8;
	[tilespmem:$0x1C200] =	vst v63  }
0x5f: {  	_ =	swait.ge [sflag:s14], $0x4000  }
0x60: {  	[sflag:s14] =	ssyncset.done $0x0  }
0x61: {  	[sflag:s14] =	ssyncadd.s32 $0xFFFFC000  }
0x62: {  	_ =	swait.ge [sflag:s22], $0x4000  }
0x63: {  	[sflag:s22] =	ssyncset.done $0x0  }
0x64: {  	[sflag:s22] =	ssyncadd.s32 $0xFFFFC000  }
0x65: {  	[spmem:s1] =	stream.indirect.scatter.add.f32 [tilespmem:s21], [sflag:$0x5], $0x80, s23, s17, $0xb8;
	[tilespmem:$0x1C200] =	vst v63  }
0x66: {  	_ =	swait.ge [sflag:s14], $0x4000  }
0x67: {  	s24 =	sadd.s32 $0x1, s24;
	[sflag:s14] =	ssyncset.done $0x0  }
0x68: {  	p0 =	sne.s32 s24, s10;
	[sflag:s14] =	ssyncadd.s32 $0xFFFFC000  }
.Ltmp1:
0x69: {  	[bflag:$0x0] =	sbarrier.arrive $0xFFFF;
	(pc) =	sbr.rel @p0 .LBB2_1-.Ltmp1, $4  }
0x6a: {  	[hbm:s9], [sflag:s6] =	dma.local [spmem:s13], $0x2800  }
0x6b: {  	_ =	swait.ge [sflag:s14], $0x2800  }
0x6c: {  	[sflag:s14] =	ssyncset.done $0x0  }
0x6d: {  	[sflag:s14] =	ssyncadd.s32 $0xFFFFD800  }
0x6e: {  	_ =	sfence.sel $0x180000  }
0x6f: {  	[bflag:$0x0] =	sbarrier.arrive $0xFFFF  }
0x70: {  	p0 =	sne.s32 s2, $0x0;
	_ =	strace $0x9000004D  }
0x71: {  	s0 =	sadd.s32 @!p0 $0x100000, s0;
	[bflag:$0x2] =	sbarrier.arrive $0xFFFF  }
0x72: {  	[sflag:s0] =	ssyncadd.tile.s32 @!p0 $0x1;
	_ =	shalt  }
.Lfunc_end2:
_tile_overlayer_lowered:
.L_overlay_start_2:
0x73: {  	(tag) =	ssettag $0x2  }
0x74: {  	s0 =	rddreg [dreg:$0x0];
	s2 =	stileid.u32  }
0x75: {  	s1 =	rddreg [dreg:$0x1];
	p0 =	sne.s32 s2, $0x0  }
0x76: {  	s3 =	rddreg [dreg:$0x2];
	[bflag:$0x3] =	sbarrier.arrive $0xFFFF;
	s2 =	simm.s32 @!p0 $0x1C05  }
0x77: {  	[timem:s3], [sflag:s2] =	dma.local @!p0 [hbm:s0], s1  }
0x78: {  	s0 =	simm.s32 @!p0 $0x5  }
0x79: {  	_ =	swait.ge @!p0 [sflag:s0], s1  }
0x7a: {  	s1 =	ssub.s32 @!p0 $0x0, s1;
	[sflag:s0] =	ssyncset.done @!p0 $0x0  }
0x7b: {  	[sflag:s0] =	ssyncadd.s32 @!p0 s1  }
0x7c: {  	[bflag:$0x3] =	sbarrier.arrive $0xFFFF  }
0x7d: {  	_ =	shalt  }

</sc_bundles>
